<compile_context>
chip_gen: v7x
topology: tpu7x:2x2x1
jax: 0.10.2.dev20260603
libtpu: 0.0.44.dev20260713+nightly
codegen_flags: <defaults>
</compile_context>

<pallas_src>
import functools

import jax
import jax.numpy as jnp
from jax import lax
from jax.experimental import pallas as pl
from jax.experimental.pallas import tpu as pltpu
from jax.experimental.pallas import tpu_sc as plsc

MAX_LEN = 2048
NUM_HEADS = 16
RB = 16
NU = 8
LM = 4224
LPAD = 136
WIN = 2944
NSC = 4

_info = plsc.get_sparse_core_info()
_NC, _NS = _info.num_cores, _info.num_subcores
_NW = _NC * _NS
_ROWS_PER = (NUM_HEADS * MAX_LEN) // _NW
_WPH = MAX_LEN // _ROWS_PER


def _make_sc_kernel():
    mesh = plsc.VectorSubcoreMesh(core_axis_name="c", subcore_axis_name="s")

    @functools.partial(
        pl.kernel,
        mesh=mesh,
        out_type=jax.ShapeDtypeStruct((NUM_HEADS, MAX_LEN, MAX_LEN), jnp.float32),
        scratch_types=[pltpu.VMEM((RB, WIN), jnp.float32)] * 2
        + [pltpu.SemaphoreType.DMA] * (2 * NSC + 2),
    )
    def sc_bias(l3_hbm, out_hbm, *scratch):
        win = scratch[:2]
        sems = scratch[2 : 2 + 2 * NSC]
        ssem = scratch[2 + 2 * NSC :]
        wid = lax.axis_index("s") * _NC + lax.axis_index("c")
        h = wid // _WPH
        p = wid % _WPH

        mbase = pl.multiple_of(1152 - 1024 * p, 128)

        def stage_copy(u, g):
            return pltpu.make_async_copy(
                l3_hbm.at[u * NUM_HEADS + h, :, pl.ds(mbase, WIN)], win[g], ssem[g]
            )

        def stage_wait(g):
            pltpu.make_async_copy(
                l3_hbm.at[0, :, pl.ds(0, WIN)], win[g], ssem[g]
            ).wait()

        def scatter(u, g, n8):
            row0 = pl.multiple_of(RB * (u + 64 * p + 8 * n8), 8)
            return pltpu.make_async_copy(
                win[g].at[:, pl.ds(128 * (7 - n8), MAX_LEN)],
                out_hbm.at[h, pl.ds(row0, RB), :],
                sems[NSC * g + (n8 % NSC)],
            )

        def scatter_wait(g, slot):
            pltpu.make_async_copy(
                win[g].at[:, pl.ds(0, MAX_LEN)],
                out_hbm.at[h, pl.ds(0, RB), :],
                sems[NSC * g + slot],
            ).wait()

        stage_copy(0, 0).start()

        def blk(u2, carry):
            for g in range(2):
                u = 2 * u2 + g
                stage_wait(g)
                for n8 in range(NSC):
                    scatter(u, g, n8).start()
                if g == 1:
                    for n8 in range(NSC, 8):
                        scatter_wait(1 - g, n8 % NSC)
                    @pl.when(u2 < NU // 2 - 1)
                    def _stage_next():
                        stage_copy(u + 1, 1 - g).start()
                else:
                    @pl.when(u2 > 0)
                    def _drain_prev():
                        for n8 in range(NSC, 8):
                            scatter_wait(1 - g, n8 % NSC)

                    stage_copy(u + 1, 1 - g).start()

                for n8 in range(NSC, 8):
                    scatter_wait(g, n8 % NSC)
                    scatter(u, g, n8).start()
            return carry

        lax.fori_loop(0, NU // 2, blk, 0)
        for n8 in range(NSC, 8):
            scatter_wait(1, n8 % NSC)

    return sc_bias


_sc_bias = _make_sc_kernel()


@jax.jit
def kernel(T, table):
    del T
    ttp = jnp.pad(jnp.transpose(table), ((0, 0), (LPAD, 129)))
    l4 = jnp.stack(
        [
            jnp.stack(
                [
                    ttp[:, LPAD - si - (RB * u + 1) : LPAD - si - (RB * u + 1) + LM]
                    for si in range(RB)
                ],
                axis=1,
            )
            for u in range(NU)
        ],
        axis=0,
    )
    return _sc_bias(l4.reshape(NU * NUM_HEADS, RB, LM))

# --- scband reference (transcript-rebuilt; emitter-appended) ---
"""Pipeline reference for scband-relative-position-bias-15178414424601 (READ-ONLY COPY).

The authoritative reference and input builder live on the scoring server;
editing this copy changes nothing except your own understanding.
"""

import jax, jax.numpy as jnp
import numpy as np

MAX_LEN = 2048
NUM_HEADS = 16

def setup_inputs(seed: int = 0) -> dict:
    key = jax.random.key(seed)
    table = jax.random.normal(key, (2 * MAX_LEN - 1, NUM_HEADS), dtype=jnp.float32) * 0.02
    return {"T": 2048, "table": table}

def reference(T, table):
    T_static = (table.shape[0] + 1) // 2
    range_vec = jnp.arange(T_static) + (T - T_static)
    distance_mat = range_vec[None, :] - range_vec[:, None]
    distance_mat_clipped = distance_mat + MAX_LEN - 1
    # embedding lookup: gather rows of table by 2-D index matrix -> [T, T, H]
    bias = jnp.take(table, distance_mat_clipped, axis=0)
    return jnp.transpose(bias, (2, 0, 1))

if __name__ == "__main__":
    import jax
    _d = setup_inputs()
    print(jax.jit(kernel)(*tuple(_d.values())))

</pallas_src>

<mosaic_0001>
#map = affine_map<(d0, d1) -> (0, 0, 0)>
module attributes {stable_mosaic.version = 14 : i64} {
  func.func @sc_bias(%arg0: i32, %arg1: i32, %arg2: memref<128x16x4224xf32, #tpu.memory_space<hbm>>, %arg3: memref<16x2048x2048xf32, #tpu.memory_space<hbm>>, %arg4: memref<16x2944xf32, #tpu.memory_space<vmem>>, %arg5: memref<16x2944xf32, #tpu.memory_space<vmem>>, %arg6: memref<!tpu.dma_semaphore, #tpu.memory_space<semaphore_mem>>, %arg7: memref<!tpu.dma_semaphore, #tpu.memory_space<semaphore_mem>>, %arg8: memref<!tpu.dma_semaphore, #tpu.memory_space<semaphore_mem>>, %arg9: memref<!tpu.dma_semaphore, #tpu.memory_space<semaphore_mem>>, %arg10: memref<!tpu.dma_semaphore, #tpu.memory_space<semaphore_mem>>, %arg11: memref<!tpu.dma_semaphore, #tpu.memory_space<semaphore_mem>>, %arg12: memref<!tpu.dma_semaphore, #tpu.memory_space<semaphore_mem>>, %arg13: memref<!tpu.dma_semaphore, #tpu.memory_space<semaphore_mem>>, %arg14: memref<!tpu.dma_semaphore, #tpu.memory_space<semaphore_mem>>, %arg15: memref<!tpu.dma_semaphore, #tpu.memory_space<semaphore_mem>>) attributes {dimension_semantics = [#tpu.dimension_semantics<core_parallel>, #tpu.dimension_semantics<subcore_parallel>], iteration_bounds = array<i64: 2, 16>, scalar_prefetch = 0 : i64, scratch_operands = 12 : i64, tpu.core_type = #tpu.core_type<sc_vector_subcore>, window_params = [{transform_indices = #map}, {transform_indices = #map}]} {
    %mul3A = arith.constant 2 : i32
    %mul3A_0 = arith.muli %arg1, %mul3A : i32
    %add3A = arith.addi %mul3A_0, %arg0 : i32
    %jit3A = arith.constant 2 : i32
    %div3A = arith.divsi %add3A, %jit3A : i32
    %sign3A = arith.constant 0 : i32
    %sign3A_1 = arith.cmpi sgt, %add3A, %sign3A : i32
    %sign3A_2 = arith.extui %sign3A_1 : i1 to i32
    %sign3A_3 = arith.constant 0 : i32
    %sign3A_4 = arith.cmpi slt, %add3A, %sign3A_3 : i32
    %sign3A_5 = arith.extui %sign3A_4 : i1 to i32
    %sign3A_6 = arith.subi %sign3A_2, %sign3A_5 : i32
    %sign3A_7 = arith.constant 0 : i32
    %sign3A_8 = arith.cmpi sgt, %jit3A, %sign3A_7 : i32
    %sign3A_9 = arith.extui %sign3A_8 : i1 to i32
    %sign3A_10 = arith.constant 0 : i32
    %sign3A_11 = arith.cmpi slt, %jit3A, %sign3A_10 : i32
    %sign3A_12 = arith.extui %sign3A_11 : i1 to i32
    %sign3A_13 = arith.subi %sign3A_9, %sign3A_12 : i32
    %ne3A = arith.cmpi ne, %sign3A_6, %sign3A_13 : i32
    %rem3A = arith.remsi %add3A, %jit3A : i32
    %ne3A_14 = arith.constant 0 : i32
    %ne3A_15 = arith.cmpi ne, %rem3A, %ne3A_14 : i32
    %and3A = arith.andi %ne3A, %ne3A_15 : i1
    %sub3A = arith.constant 1 : i32
    %sub3A_16 = arith.subi %div3A, %sub3A : i32
    %select_n3A = arith.select %and3A, %sub3A_16, %div3A : i32
    %jit3A_17 = arith.constant 2 : i32
    %eq3A = arith.constant 0 : i32
    %eq3A_18 = arith.cmpi eq, %jit3A_17, %eq3A : i32
    %jit3A_19 = arith.constant 1 : i32
    %select_n3A_20 = arith.select %eq3A_18, %jit3A_19, %jit3A_17 : i32
    %rem3A_21 = arith.remsi %add3A, %select_n3A_20 : i32
    %ne3A_22 = arith.constant 0 : i32
    %ne3A_23 = arith.cmpi ne, %rem3A_21, %ne3A_22 : i32
    %lt3A = arith.constant 0 : i32
    %lt3A_24 = arith.cmpi slt, %rem3A_21, %lt3A : i32
    %lt3A_25 = arith.constant 0 : i32
    %lt3A_26 = arith.cmpi slt, %select_n3A_20, %lt3A_25 : i32
    %ne3A_27 = arith.xori %lt3A_24, %lt3A_26 : i1
    %and3A_28 = arith.andi %ne3A_27, %ne3A_23 : i1
    %add3A_29 = arith.addi %rem3A_21, %select_n3A_20 : i32
    %select_n3A_30 = arith.select %and3A_28, %add3A_29, %rem3A_21 : i32
    %mul3A_31 = arith.constant 1024 : i32
    %mul3A_32 = arith.muli %mul3A_31, %select_n3A_30 : i32
    %sub3A_33 = arith.constant 1152 : i32
    %sub3A_34 = arith.subi %sub3A_33, %mul3A_32 : i32
    %multiple_of3A = tpu.assume_multiple %sub3A_34, 128 : i32
    %add3A_35 = arith.constant 0 : i32
    %add3A_36 = arith.addi %add3A_35, %select_n3A : i32
    %dma_start3A = arith.constant 0 : i32
    %dma_start3A_37 = tpu.memref_slice %arg2[%add3A_36, %dma_start3A, %multiple_of3A] : memref<128x16x4224xf32, #tpu.memory_space<hbm>> -> memref<1x16x2944xf32, #tpu.memory_space<hbm>>
    %dma_start3A_38 = tpu.memref_squeeze %dma_start3A_37 : memref<1x16x2944xf32, #tpu.memory_space<hbm>> -> memref<16x2944xf32, #tpu.memory_space<hbm>>
    %dma_start3A_39 = arith.constant 0 : i32
    %dma_start3A_40 = tpu.memref_slice %arg2[%add3A_36, %dma_start3A_39, %multiple_of3A] : memref<128x16x4224xf32, #tpu.memory_space<hbm>> -> memref<1x16x2944xf32, #tpu.memory_space<hbm>>
    %dma_start3A_41 = tpu.memref_squeeze %dma_start3A_40 : memref<1x16x2944xf32, #tpu.memory_space<hbm>> -> memref<16x2944xf32, #tpu.memory_space<hbm>>
    tpu.enqueue_dma source(%dma_start3A_41 : memref<16x2944xf32, #tpu.memory_space<hbm>>) target(%arg4 : memref<16x2944xf32, #tpu.memory_space<vmem>>) target_semaphore(%arg14 : memref<!tpu.dma_semaphore, #tpu.memory_space<semaphore_mem>>)
    %scan3A = arith.constant 0 : i32
    %scan3A_42 = arith.constant 0 : i32
    %scan3A_43 = arith.constant 4 : i32
    %scan3A_44 = arith.addi %scan3A_42, %scan3A_43 : i32
    %scan3A_45 = arith.constant 1 : i32
    scf.for %scan3A_102 = %scan3A_42 to %scan3A_44 step %scan3A_45  : i32 {
      %mul3A_103 = arith.constant 2 : i32
      %mul3A_104 = arith.muli %mul3A_103, %scan3A_102 : i32
      %add3A_105 = arith.constant 0 : i32
      %add3A_106 = arith.addi %mul3A_104, %add3A_105 : i32
      %dma_wait3A_107 = arith.constant 0 : i32
      %dma_wait3A_108 = arith.constant 0 : i32
      %dma_wait3A_109 = arith.constant 0 : i32
      %dma_wait3A_110 = tpu.memref_slice %arg2[%dma_wait3A_107, %dma_wait3A_108, %dma_wait3A_109] : memref<128x16x4224xf32, #tpu.memory_space<hbm>> -> memref<1x16x2944xf32, #tpu.memory_space<hbm>>
      %dma_wait3A_111 = tpu.memref_squeeze %dma_wait3A_110 : memref<1x16x2944xf32, #tpu.memory_space<hbm>> -> memref<16x2944xf32, #tpu.memory_space<hbm>>
      %dma_wait3A_112 = arith.constant 0 : i32
      %dma_wait3A_113 = arith.constant 0 : i32
      %dma_wait3A_114 = tpu.memref_slice %arg2[%dma_wait3A_107, %dma_wait3A_112, %dma_wait3A_113] : memref<128x16x4224xf32, #tpu.memory_space<hbm>> -> memref<1x16x2944xf32, #tpu.memory_space<hbm>>
      %dma_wait3A_115 = tpu.memref_squeeze %dma_wait3A_114 : memref<1x16x2944xf32, #tpu.memory_space<hbm>> -> memref<16x2944xf32, #tpu.memory_space<hbm>>
      tpu.wait_dma2 semaphore(%arg14 : memref<!tpu.dma_semaphore, #tpu.memory_space<semaphore_mem>>) src(%dma_wait3A_115 : memref<16x2944xf32, #tpu.memory_space<hbm>>) dst(%arg4 : memref<16x2944xf32, #tpu.memory_space<vmem>>)
      %mul3A_116 = arith.constant 64 : i32
      %mul3A_117 = arith.muli %mul3A_116, %select_n3A_30 : i32
      %add3A_118 = arith.addi %add3A_106, %mul3A_117 : i32
      %add3A_119 = arith.constant 0 : i32
      %add3A_120 = arith.addi %add3A_118, %add3A_119 : i32
      %mul3A_121 = arith.constant 16 : i32
      %mul3A_122 = arith.muli %mul3A_121, %add3A_120 : i32
      %multiple_of3A_123 = tpu.assume_multiple %mul3A_122, 8 : i32
      %dma_start3A_124 = arith.constant 0 : i32
      %dma_start3A_125 = arith.constant 896 : i32
      %dma_start3A_126 = tpu.memref_slice %arg4[%dma_start3A_124, %dma_start3A_125] : memref<16x2944xf32, #tpu.memory_space<vmem>> -> memref<16x2048xf32, #tpu.memory_space<vmem>>
      %dma_start3A_127 = arith.constant 0 : i32
      %dma_start3A_128 = tpu.memref_slice %arg3[%select_n3A, %multiple_of3A_123, %dma_start3A_127] : memref<16x2048x2048xf32, #tpu.memory_space<hbm>> -> memref<1x16x2048xf32, #tpu.memory_space<hbm>>
      %dma_start3A_129 = tpu.memref_squeeze %dma_start3A_128 : memref<1x16x2048xf32, #tpu.memory_space<hbm>> -> memref<16x2048xf32, #tpu.memory_space<hbm>>
      %dma_start3A_130 = arith.constant 0 : i32
      %dma_start3A_131 = tpu.memref_slice %arg3[%select_n3A, %multiple_of3A_123, %dma_start3A_130] : memref<16x2048x2048xf32, #tpu.memory_space<hbm>> -> memref<1x16x2048xf32, #tpu.memory_space<hbm>>
      %dma_start3A_132 = tpu.memref_squeeze %dma_start3A_131 : memref<1x16x2048xf32, #tpu.memory_space<hbm>> -> memref<16x2048xf32, #tpu.memory_space<hbm>>
      %dma_start3A_133 = arith.constant 0 : i32
      %dma_start3A_134 = arith.constant 896 : i32
      %dma_start3A_135 = tpu.memref_slice %arg4[%dma_start3A_133, %dma_start3A_134] : memref<16x2944xf32, #tpu.memory_space<vmem>> -> memref<16x2048xf32, #tpu.memory_space<vmem>>
      tpu.enqueue_dma source(%dma_start3A_135 : memref<16x2048xf32, #tpu.memory_space<vmem>>) target(%dma_start3A_132 : memref<16x2048xf32, #tpu.memory_space<hbm>>) target_semaphore(%arg6 : memref<!tpu.dma_semaphore, #tpu.memory_space<semaphore_mem>>)
      %mul3A_136 = arith.constant 64 : i32
      %mul3A_137 = arith.muli %mul3A_136, %select_n3A_30 : i32
      %add3A_138 = arith.addi %add3A_106, %mul3A_137 : i32
      %add3A_139 = arith.constant 8 : i32
      %add3A_140 = arith.addi %add3A_138, %add3A_139 : i32
      %mul3A_141 = arith.constant 16 : i32
      %mul3A_142 = arith.muli %mul3A_141, %add3A_140 : i32
      %multiple_of3A_143 = tpu.assume_multiple %mul3A_142, 8 : i32
      %dma_start3A_144 = arith.constant 0 : i32
      %dma_start3A_145 = arith.constant 768 : i32
      %dma_start3A_146 = tpu.memref_slice %arg4[%dma_start3A_144, %dma_start3A_145] : memref<16x2944xf32, #tpu.memory_space<vmem>> -> memref<16x2048xf32, #tpu.memory_space<vmem>>
      %dma_start3A_147 = arith.constant 0 : i32
      %dma_start3A_148 = tpu.memref_slice %arg3[%select_n3A, %multiple_of3A_143, %dma_start3A_147] : memref<16x2048x2048xf32, #tpu.memory_space<hbm>> -> memref<1x16x2048xf32, #tpu.memory_space<hbm>>
      %dma_start3A_149 = tpu.memref_squeeze %dma_start3A_148 : memref<1x16x2048xf32, #tpu.memory_space<hbm>> -> memref<16x2048xf32, #tpu.memory_space<hbm>>
      %dma_start3A_150 = arith.constant 0 : i32
      %dma_start3A_151 = tpu.memref_slice %arg3[%select_n3A, %multiple_of3A_143, %dma_start3A_150] : memref<16x2048x2048xf32, #tpu.memory_space<hbm>> -> memref<1x16x2048xf32, #tpu.memory_space<hbm>>
      %dma_start3A_152 = tpu.memref_squeeze %dma_start3A_151 : memref<1x16x2048xf32, #tpu.memory_space<hbm>> -> memref<16x2048xf32, #tpu.memory_space<hbm>>
      %dma_start3A_153 = arith.constant 0 : i32
      %dma_start3A_154 = arith.constant 768 : i32
      %dma_start3A_155 = tpu.memref_slice %arg4[%dma_start3A_153, %dma_start3A_154] : memref<16x2944xf32, #tpu.memory_space<vmem>> -> memref<16x2048xf32, #tpu.memory_space<vmem>>
      tpu.enqueue_dma source(%dma_start3A_155 : memref<16x2048xf32, #tpu.memory_space<vmem>>) target(%dma_start3A_152 : memref<16x2048xf32, #tpu.memory_space<hbm>>) target_semaphore(%arg7 : memref<!tpu.dma_semaphore, #tpu.memory_space<semaphore_mem>>)
      %mul3A_156 = arith.constant 64 : i32
      %mul3A_157 = arith.muli %mul3A_156, %select_n3A_30 : i32
      %add3A_158 = arith.addi %add3A_106, %mul3A_157 : i32
      %add3A_159 = arith.constant 16 : i32
      %add3A_160 = arith.addi %add3A_158, %add3A_159 : i32
      %mul3A_161 = arith.constant 16 : i32
      %mul3A_162 = arith.muli %mul3A_161, %add3A_160 : i32
      %multiple_of3A_163 = tpu.assume_multiple %mul3A_162, 8 : i32
      %dma_start3A_164 = arith.constant 0 : i32
      %dma_start3A_165 = arith.constant 640 : i32
      %dma_start3A_166 = tpu.memref_slice %arg4[%dma_start3A_164, %dma_start3A_165] : memref<16x2944xf32, #tpu.memory_space<vmem>> -> memref<16x2048xf32, #tpu.memory_space<vmem>>
      %dma_start3A_167 = arith.constant 0 : i32
      %dma_start3A_168 = tpu.memref_slice %arg3[%select_n3A, %multiple_of3A_163, %dma_start3A_167] : memref<16x2048x2048xf32, #tpu.memory_space<hbm>> -> memref<1x16x2048xf32, #tpu.memory_space<hbm>>
      %dma_start3A_169 = tpu.memref_squeeze %dma_start3A_168 : memref<1x16x2048xf32, #tpu.memory_space<hbm>> -> memref<16x2048xf32, #tpu.memory_space<hbm>>
      %dma_start3A_170 = arith.constant 0 : i32
      %dma_start3A_171 = tpu.memref_slice %arg3[%select_n3A, %multiple_of3A_163, %dma_start3A_170] : memref<16x2048x2048xf32, #tpu.memory_space<hbm>> -> memref<1x16x2048xf32, #tpu.memory_space<hbm>>
      %dma_start3A_172 = tpu.memref_squeeze %dma_start3A_171 : memref<1x16x2048xf32, #tpu.memory_space<hbm>> -> memref<16x2048xf32, #tpu.memory_space<hbm>>
      %dma_start3A_173 = arith.constant 0 : i32
      %dma_start3A_174 = arith.constant 640 : i32
      %dma_start3A_175 = tpu.memref_slice %arg4[%dma_start3A_173, %dma_start3A_174] : memref<16x2944xf32, #tpu.memory_space<vmem>> -> memref<16x2048xf32, #tpu.memory_space<vmem>>
      tpu.enqueue_dma source(%dma_start3A_175 : memref<16x2048xf32, #tpu.memory_space<vmem>>) target(%dma_start3A_172 : memref<16x2048xf32, #tpu.memory_space<hbm>>) target_semaphore(%arg8 : memref<!tpu.dma_semaphore, #tpu.memory_space<semaphore_mem>>)
      %mul3A_176 = arith.constant 64 : i32
      %mul3A_177 = arith.muli %mul3A_176, %select_n3A_30 : i32
      %add3A_178 = arith.addi %add3A_106, %mul3A_177 : i32
      %add3A_179 = arith.constant 24 : i32
      %add3A_180 = arith.addi %add3A_178, %add3A_179 : i32
      %mul3A_181 = arith.constant 16 : i32
      %mul3A_182 = arith.muli %mul3A_181, %add3A_180 : i32
      %multiple_of3A_183 = tpu.assume_multiple %mul3A_182, 8 : i32
      %dma_start3A_184 = arith.constant 0 : i32
      %dma_start3A_185 = arith.constant 512 : i32
      %dma_start3A_186 = tpu.memref_slice %arg4[%dma_start3A_184, %dma_start3A_185] : memref<16x2944xf32, #tpu.memory_space<vmem>> -> memref<16x2048xf32, #tpu.memory_space<vmem>>
      %dma_start3A_187 = arith.constant 0 : i32
      %dma_start3A_188 = tpu.memref_slice %arg3[%select_n3A, %multiple_of3A_183, %dma_start3A_187] : memref<16x2048x2048xf32, #tpu.memory_space<hbm>> -> memref<1x16x2048xf32, #tpu.memory_space<hbm>>
      %dma_start3A_189 = tpu.memref_squeeze %dma_start3A_188 : memref<1x16x2048xf32, #tpu.memory_space<hbm>> -> memref<16x2048xf32, #tpu.memory_space<hbm>>
      %dma_start3A_190 = arith.constant 0 : i32
      %dma_start3A_191 = tpu.memref_slice %arg3[%select_n3A, %multiple_of3A_183, %dma_start3A_190] : memref<16x2048x2048xf32, #tpu.memory_space<hbm>> -> memref<1x16x2048xf32, #tpu.memory_space<hbm>>
      %dma_start3A_192 = tpu.memref_squeeze %dma_start3A_191 : memref<1x16x2048xf32, #tpu.memory_space<hbm>> -> memref<16x2048xf32, #tpu.memory_space<hbm>>
      %dma_start3A_193 = arith.constant 0 : i32
      %dma_start3A_194 = arith.constant 512 : i32
      %dma_start3A_195 = tpu.memref_slice %arg4[%dma_start3A_193, %dma_start3A_194] : memref<16x2944xf32, #tpu.memory_space<vmem>> -> memref<16x2048xf32, #tpu.memory_space<vmem>>
      tpu.enqueue_dma source(%dma_start3A_195 : memref<16x2048xf32, #tpu.memory_space<vmem>>) target(%dma_start3A_192 : memref<16x2048xf32, #tpu.memory_space<hbm>>) target_semaphore(%arg9 : memref<!tpu.dma_semaphore, #tpu.memory_space<semaphore_mem>>)
      %gt3A = arith.constant 0 : i32
      %gt3A_196 = arith.cmpi sgt, %scan3A_102, %gt3A : i32
      %convert_element_type3A = arith.extui %gt3A_196 : i1 to i32
      %cond3A = arith.constant 0 : i32
      %cond3A_197 = arith.cmpi ne, %convert_element_type3A, %cond3A : i32
      scf.if %cond3A_197 {
        %dma_wait3A_635 = arith.constant 0 : i32
        %dma_wait3A_636 = arith.constant 0 : i32
        %dma_wait3A_637 = tpu.memref_slice %arg5[%dma_wait3A_635, %dma_wait3A_636] : memref<16x2944xf32, #tpu.memory_space<vmem>> -> memref<16x2048xf32, #tpu.memory_space<vmem>>
        %dma_wait3A_638 = arith.constant 0 : i32
        %dma_wait3A_639 = arith.constant 0 : i32
        %dma_wait3A_640 = tpu.memref_slice %arg3[%select_n3A, %dma_wait3A_638, %dma_wait3A_639] : memref<16x2048x2048xf32, #tpu.memory_space<hbm>> -> memref<1x16x2048xf32, #tpu.memory_space<hbm>>
        %dma_wait3A_641 = tpu.memref_squeeze %dma_wait3A_640 : memref<1x16x2048xf32, #tpu.memory_space<hbm>> -> memref<16x2048xf32, #tpu.memory_space<hbm>>
        %dma_wait3A_642 = arith.constant 0 : i32
        %dma_wait3A_643 = arith.constant 0 : i32
        %dma_wait3A_644 = tpu.memref_slice %arg3[%select_n3A, %dma_wait3A_642, %dma_wait3A_643] : memref<16x2048x2048xf32, #tpu.memory_space<hbm>> -> memref<1x16x2048xf32, #tpu.memory_space<hbm>>
        %dma_wait3A_645 = tpu.memref_squeeze %dma_wait3A_644 : memref<1x16x2048xf32, #tpu.memory_space<hbm>> -> memref<16x2048xf32, #tpu.memory_space<hbm>>
        %dma_wait3A_646 = arith.constant 0 : i32
        %dma_wait3A_647 = arith.constant 0 : i32
        %dma_wait3A_648 = tpu.memref_slice %arg5[%dma_wait3A_646, %dma_wait3A_647] : memref<16x2944xf32, #tpu.memory_space<vmem>> -> memref<16x2048xf32, #tpu.memory_space<vmem>>
        tpu.wait_dma2 semaphore(%arg10 : memref<!tpu.dma_semaphore, #tpu.memory_space<semaphore_mem>>) src(%dma_wait3A_648 : memref<16x2048xf32, #tpu.memory_space<vmem>>) dst(%dma_wait3A_645 : memref<16x2048xf32, #tpu.memory_space<hbm>>)
        %dma_wait3A_649 = arith.constant 0 : i32
        %dma_wait3A_650 = arith.constant 0 : i32
        %dma_wait3A_651 = tpu.memref_slice %arg5[%dma_wait3A_649, %dma_wait3A_650] : memref<16x2944xf32, #tpu.memory_space<vmem>> -> memref<16x2048xf32, #tpu.memory_space<vmem>>
        %dma_wait3A_652 = arith.constant 0 : i32
        %dma_wait3A_653 = arith.constant 0 : i32
        %dma_wait3A_654 = tpu.memref_slice %arg3[%select_n3A, %dma_wait3A_652, %dma_wait3A_653] : memref<16x2048x2048xf32, #tpu.memory_space<hbm>> -> memref<1x16x2048xf32, #tpu.memory_space<hbm>>
        %dma_wait3A_655 = tpu.memref_squeeze %dma_wait3A_654 : memref<1x16x2048xf32, #tpu.memory_space<hbm>> -> memref<16x2048xf32, #tpu.memory_space<hbm>>
        %dma_wait3A_656 = arith.constant 0 : i32
        %dma_wait3A_657 = arith.constant 0 : i32
        %dma_wait3A_658 = tpu.memref_slice %arg3[%select_n3A, %dma_wait3A_656, %dma_wait3A_657] : memref<16x2048x2048xf32, #tpu.memory_space<hbm>> -> memref<1x16x2048xf32, #tpu.memory_space<hbm>>
        %dma_wait3A_659 = tpu.memref_squeeze %dma_wait3A_658 : memref<1x16x2048xf32, #tpu.memory_space<hbm>> -> memref<16x2048xf32, #tpu.memory_space<hbm>>
        %dma_wait3A_660 = arith.constant 0 : i32
        %dma_wait3A_661 = arith.constant 0 : i32
        %dma_wait3A_662 = tpu.memref_slice %arg5[%dma_wait3A_660, %dma_wait3A_661] : memref<16x2944xf32, #tpu.memory_space<vmem>> -> memref<16x2048xf32, #tpu.memory_space<vmem>>
        tpu.wait_dma2 semaphore(%arg11 : memref<!tpu.dma_semaphore, #tpu.memory_space<semaphore_mem>>) src(%dma_wait3A_662 : memref<16x2048xf32, #tpu.memory_space<vmem>>) dst(%dma_wait3A_659 : memref<16x2048xf32, #tpu.memory_space<hbm>>)
        %dma_wait3A_663 = arith.constant 0 : i32
        %dma_wait3A_664 = arith.constant 0 : i32
        %dma_wait3A_665 = tpu.memref_slice %arg5[%dma_wait3A_663, %dma_wait3A_664] : memref<16x2944xf32, #tpu.memory_space<vmem>> -> memref<16x2048xf32, #tpu.memory_space<vmem>>
        %dma_wait3A_666 = arith.constant 0 : i32
        %dma_wait3A_667 = arith.constant 0 : i32
        %dma_wait3A_668 = tpu.memref_slice %arg3[%select_n3A, %dma_wait3A_666, %dma_wait3A_667] : memref<16x2048x2048xf32, #tpu.memory_space<hbm>> -> memref<1x16x2048xf32, #tpu.memory_space<hbm>>
        %dma_wait3A_669 = tpu.memref_squeeze %dma_wait3A_668 : memref<1x16x2048xf32, #tpu.memory_space<hbm>> -> memref<16x2048xf32, #tpu.memory_space<hbm>>
        %dma_wait3A_670 = arith.constant 0 : i32
        %dma_wait3A_671 = arith.constant 0 : i32
        %dma_wait3A_672 = tpu.memref_slice %arg3[%select_n3A, %dma_wait3A_670, %dma_wait3A_671] : memref<16x2048x2048xf32, #tpu.memory_space<hbm>> -> memref<1x16x2048xf32, #tpu.memory_space<hbm>>
        %dma_wait3A_673 = tpu.memref_squeeze %dma_wait3A_672 : memref<1x16x2048xf32, #tpu.memory_space<hbm>> -> memref<16x2048xf32, #tpu.memory_space<hbm>>
        %dma_wait3A_674 = arith.constant 0 : i32
        %dma_wait3A_675 = arith.constant 0 : i32
        %dma_wait3A_676 = tpu.memref_slice %arg5[%dma_wait3A_674, %dma_wait3A_675] : memref<16x2944xf32, #tpu.memory_space<vmem>> -> memref<16x2048xf32, #tpu.memory_space<vmem>>
        tpu.wait_dma2 semaphore(%arg12 : memref<!tpu.dma_semaphore, #tpu.memory_space<semaphore_mem>>) src(%dma_wait3A_676 : memref<16x2048xf32, #tpu.memory_space<vmem>>) dst(%dma_wait3A_673 : memref<16x2048xf32, #tpu.memory_space<hbm>>)
        %dma_wait3A_677 = arith.constant 0 : i32
        %dma_wait3A_678 = arith.constant 0 : i32
        %dma_wait3A_679 = tpu.memref_slice %arg5[%dma_wait3A_677, %dma_wait3A_678] : memref<16x2944xf32, #tpu.memory_space<vmem>> -> memref<16x2048xf32, #tpu.memory_space<vmem>>
        %dma_wait3A_680 = arith.constant 0 : i32
        %dma_wait3A_681 = arith.constant 0 : i32
        %dma_wait3A_682 = tpu.memref_slice %arg3[%select_n3A, %dma_wait3A_680, %dma_wait3A_681] : memref<16x2048x2048xf32, #tpu.memory_space<hbm>> -> memref<1x16x2048xf32, #tpu.memory_space<hbm>>
        %dma_wait3A_683 = tpu.memref_squeeze %dma_wait3A_682 : memref<1x16x2048xf32, #tpu.memory_space<hbm>> -> memref<16x2048xf32, #tpu.memory_space<hbm>>
        %dma_wait3A_684 = arith.constant 0 : i32
        %dma_wait3A_685 = arith.constant 0 : i32
        %dma_wait3A_686 = tpu.memref_slice %arg3[%select_n3A, %dma_wait3A_684, %dma_wait3A_685] : memref<16x2048x2048xf32, #tpu.memory_space<hbm>> -> memref<1x16x2048xf32, #tpu.memory_space<hbm>>
        %dma_wait3A_687 = tpu.memref_squeeze %dma_wait3A_686 : memref<1x16x2048xf32, #tpu.memory_space<hbm>> -> memref<16x2048xf32, #tpu.memory_space<hbm>>
        %dma_wait3A_688 = arith.constant 0 : i32
        %dma_wait3A_689 = arith.constant 0 : i32
        %dma_wait3A_690 = tpu.memref_slice %arg5[%dma_wait3A_688, %dma_wait3A_689] : memref<16x2944xf32, #tpu.memory_space<vmem>> -> memref<16x2048xf32, #tpu.memory_space<vmem>>
        tpu.wait_dma2 semaphore(%arg13 : memref<!tpu.dma_semaphore, #tpu.memory_space<semaphore_mem>>) src(%dma_wait3A_690 : memref<16x2048xf32, #tpu.memory_space<vmem>>) dst(%dma_wait3A_687 : memref<16x2048xf32, #tpu.memory_space<hbm>>)
      } else {
      }
      %add3A_198 = arith.constant 1 : i32
      %add3A_199 = arith.addi %add3A_106, %add3A_198 : i32
      %mul3A_200 = arith.constant 16 : i32
      %mul3A_201 = arith.muli %add3A_199, %mul3A_200 : i32
      %add3A_202 = arith.addi %mul3A_201, %select_n3A : i32
      %dma_start3A_203 = arith.constant 0 : i32
      %dma_start3A_204 = tpu.memref_slice %arg2[%add3A_202, %dma_start3A_203, %multiple_of3A] : memref<128x16x4224xf32, #tpu.memory_space<hbm>> -> memref<1x16x2944xf32, #tpu.memory_space<hbm>>
      %dma_start3A_205 = tpu.memref_squeeze %dma_start3A_204 : memref<1x16x2944xf32, #tpu.memory_space<hbm>> -> memref<16x2944xf32, #tpu.memory_space<hbm>>
      %dma_start3A_206 = arith.constant 0 : i32
      %dma_start3A_207 = tpu.memref_slice %arg2[%add3A_202, %dma_start3A_206, %multiple_of3A] : memref<128x16x4224xf32, #tpu.memory_space<hbm>> -> memref<1x16x2944xf32, #tpu.memory_space<hbm>>
      %dma_start3A_208 = tpu.memref_squeeze %dma_start3A_207 : memref<1x16x2944xf32, #tpu.memory_space<hbm>> -> memref<16x2944xf32, #tpu.memory_space<hbm>>
      tpu.enqueue_dma source(%dma_start3A_208 : memref<16x2944xf32, #tpu.memory_space<hbm>>) target(%arg5 : memref<16x2944xf32, #tpu.memory_space<vmem>>) target_semaphore(%arg15 : memref<!tpu.dma_semaphore, #tpu.memory_space<semaphore_mem>>)
      %dma_wait3A_209 = arith.constant 0 : i32
      %dma_wait3A_210 = arith.constant 0 : i32
      %dma_wait3A_211 = tpu.memref_slice %arg4[%dma_wait3A_209, %dma_wait3A_210] : memref<16x2944xf32, #tpu.memory_space<vmem>> -> memref<16x2048xf32, #tpu.memory_space<vmem>>
      %dma_wait3A_212 = arith.constant 0 : i32
      %dma_wait3A_213 = arith.constant 0 : i32
      %dma_wait3A_214 = tpu.memref_slice %arg3[%select_n3A, %dma_wait3A_212, %dma_wait3A_213] : memref<16x2048x2048xf32, #tpu.memory_space<hbm>> -> memref<1x16x2048xf32, #tpu.memory_space<hbm>>
      %dma_wait3A_215 = tpu.memref_squeeze %dma_wait3A_214 : memref<1x16x2048xf32, #tpu.memory_space<hbm>> -> memref<16x2048xf32, #tpu.memory_space<hbm>>
      %dma_wait3A_216 = arith.constant 0 : i32
      %dma_wait3A_217 = arith.constant 0 : i32
      %dma_wait3A_218 = tpu.memref_slice %arg3[%select_n3A, %dma_wait3A_216, %dma_wait3A_217] : memref<16x2048x2048xf32, #tpu.memory_space<hbm>> -> memref<1x16x2048xf32, #tpu.memory_space<hbm>>
      %dma_wait3A_219 = tpu.memref_squeeze %dma_wait3A_218 : memref<1x16x2048xf32, #tpu.memory_space<hbm>> -> memref<16x2048xf32, #tpu.memory_space<hbm>>
      %dma_wait3A_220 = arith.constant 0 : i32
      %dma_wait3A_221 = arith.constant 0 : i32
      %dma_wait3A_222 = tpu.memref_slice %arg4[%dma_wait3A_220, %dma_wait3A_221] : memref<16x2944xf32, #tpu.memory_space<vmem>> -> memref<16x2048xf32, #tpu.memory_space<vmem>>
      tpu.wait_dma2 semaphore(%arg6 : memref<!tpu.dma_semaphore, #tpu.memory_space<semaphore_mem>>) src(%dma_wait3A_222 : memref<16x2048xf32, #tpu.memory_space<vmem>>) dst(%dma_wait3A_219 : memref<16x2048xf32, #tpu.memory_space<hbm>>)
      %mul3A_223 = arith.constant 64 : i32
      %mul3A_224 = arith.muli %mul3A_223, %select_n3A_30 : i32
      %add3A_225 = arith.addi %add3A_106, %mul3A_224 : i32
      %add3A_226 = arith.constant 32 : i32
      %add3A_227 = arith.addi %add3A_225, %add3A_226 : i32
      %mul3A_228 = arith.constant 16 : i32
      %mul3A_229 = arith.muli %mul3A_228, %add3A_227 : i32
      %multiple_of3A_230 = tpu.assume_multiple %mul3A_229, 8 : i32
      %dma_start3A_231 = arith.constant 0 : i32
      %dma_start3A_232 = arith.constant 384 : i32
      %dma_start3A_233 = tpu.memref_slice %arg4[%dma_start3A_231, %dma_start3A_232] : memref<16x2944xf32, #tpu.memory_space<vmem>> -> memref<16x2048xf32, #tpu.memory_space<vmem>>
      %dma_start3A_234 = arith.constant 0 : i32
      %dma_start3A_235 = tpu.memref_slice %arg3[%select_n3A, %multiple_of3A_230, %dma_start3A_234] : memref<16x2048x2048xf32, #tpu.memory_space<hbm>> -> memref<1x16x2048xf32, #tpu.memory_space<hbm>>
      %dma_start3A_236 = tpu.memref_squeeze %dma_start3A_235 : memref<1x16x2048xf32, #tpu.memory_space<hbm>> -> memref<16x2048xf32, #tpu.memory_space<hbm>>
      %dma_start3A_237 = arith.constant 0 : i32
      %dma_start3A_238 = tpu.memref_slice %arg3[%select_n3A, %multiple_of3A_230, %dma_start3A_237] : memref<16x2048x2048xf32, #tpu.memory_space<hbm>> -> memref<1x16x2048xf32, #tpu.memory_space<hbm>>
      %dma_start3A_239 = tpu.memref_squeeze %dma_start3A_238 : memref<1x16x2048xf32, #tpu.memory_space<hbm>> -> memref<16x2048xf32, #tpu.memory_space<hbm>>
      %dma_start3A_240 = arith.constant 0 : i32
      %dma_start3A_241 = arith.constant 384 : i32
      %dma_start3A_242 = tpu.memref_slice %arg4[%dma_start3A_240, %dma_start3A_241] : memref<16x2944xf32, #tpu.memory_space<vmem>> -> memref<16x2048xf32, #tpu.memory_space<vmem>>
      tpu.enqueue_dma source(%dma_start3A_242 : memref<16x2048xf32, #tpu.memory_space<vmem>>) target(%dma_start3A_239 : memref<16x2048xf32, #tpu.memory_space<hbm>>) target_semaphore(%arg6 : memref<!tpu.dma_semaphore, #tpu.memory_space<semaphore_mem>>)
      %dma_wait3A_243 = arith.constant 0 : i32
      %dma_wait3A_244 = arith.constant 0 : i32
      %dma_wait3A_245 = tpu.memref_slice %arg4[%dma_wait3A_243, %dma_wait3A_244] : memref<16x2944xf32, #tpu.memory_space<vmem>> -> memref<16x2048xf32, #tpu.memory_space<vmem>>
      %dma_wait3A_246 = arith.constant 0 : i32
      %dma_wait3A_247 = arith.constant 0 : i32
      %dma_wait3A_248 = tpu.memref_slice %arg3[%select_n3A, %dma_wait3A_246, %dma_wait3A_247] : memref<16x2048x2048xf32, #tpu.memory_space<hbm>> -> memref<1x16x2048xf32, #tpu.memory_space<hbm>>
      %dma_wait3A_249 = tpu.memref_squeeze %dma_wait3A_248 : memref<1x16x2048xf32, #tpu.memory_space<hbm>> -> memref<16x2048xf32, #tpu.memory_space<hbm>>
      %dma_wait3A_250 = arith.constant 0 : i32
      %dma_wait3A_251 = arith.constant 0 : i32
      %dma_wait3A_252 = tpu.memref_slice %arg3[%select_n3A, %dma_wait3A_250, %dma_wait3A_251] : memref<16x2048x2048xf32, #tpu.memory_space<hbm>> -> memref<1x16x2048xf32, #tpu.memory_space<hbm>>
      %dma_wait3A_253 = tpu.memref_squeeze %dma_wait3A_252 : memref<1x16x2048xf32, #tpu.memory_space<hbm>> -> memref<16x2048xf32, #tpu.memory_space<hbm>>
      %dma_wait3A_254 = arith.constant 0 : i32
      %dma_wait3A_255 = arith.constant 0 : i32
      %dma_wait3A_256 = tpu.memref_slice %arg4[%dma_wait3A_254, %dma_wait3A_255] : memref<16x2944xf32, #tpu.memory_space<vmem>> -> memref<16x2048xf32, #tpu.memory_space<vmem>>
      tpu.wait_dma2 semaphore(%arg7 : memref<!tpu.dma_semaphore, #tpu.memory_space<semaphore_mem>>) src(%dma_wait3A_256 : memref<16x2048xf32, #tpu.memory_space<vmem>>) dst(%dma_wait3A_253 : memref<16x2048xf32, #tpu.memory_space<hbm>>)
      %mul3A_257 = arith.constant 64 : i32
      %mul3A_258 = arith.muli %mul3A_257, %select_n3A_30 : i32
      %add3A_259 = arith.addi %add3A_106, %mul3A_258 : i32
      %add3A_260 = arith.constant 40 : i32
      %add3A_261 = arith.addi %add3A_259, %add3A_260 : i32
      %mul3A_262 = arith.constant 16 : i32
      %mul3A_263 = arith.muli %mul3A_262, %add3A_261 : i32
      %multiple_of3A_264 = tpu.assume_multiple %mul3A_263, 8 : i32
      %dma_start3A_265 = arith.constant 0 : i32
      %dma_start3A_266 = arith.constant 256 : i32
      %dma_start3A_267 = tpu.memref_slice %arg4[%dma_start3A_265, %dma_start3A_266] : memref<16x2944xf32, #tpu.memory_space<vmem>> -> memref<16x2048xf32, #tpu.memory_space<vmem>>
      %dma_start3A_268 = arith.constant 0 : i32
      %dma_start3A_269 = tpu.memref_slice %arg3[%select_n3A, %multiple_of3A_264, %dma_start3A_268] : memref<16x2048x2048xf32, #tpu.memory_space<hbm>> -> memref<1x16x2048xf32, #tpu.memory_space<hbm>>
      %dma_start3A_270 = tpu.memref_squeeze %dma_start3A_269 : memref<1x16x2048xf32, #tpu.memory_space<hbm>> -> memref<16x2048xf32, #tpu.memory_space<hbm>>
      %dma_start3A_271 = arith.constant 0 : i32
      %dma_start3A_272 = tpu.memref_slice %arg3[%select_n3A, %multiple_of3A_264, %dma_start3A_271] : memref<16x2048x2048xf32, #tpu.memory_space<hbm>> -> memref<1x16x2048xf32, #tpu.memory_space<hbm>>
      %dma_start3A_273 = tpu.memref_squeeze %dma_start3A_272 : memref<1x16x2048xf32, #tpu.memory_space<hbm>> -> memref<16x2048xf32, #tpu.memory_space<hbm>>
      %dma_start3A_274 = arith.constant 0 : i32
      %dma_start3A_275 = arith.constant 256 : i32
      %dma_start3A_276 = tpu.memref_slice %arg4[%dma_start3A_274, %dma_start3A_275] : memref<16x2944xf32, #tpu.memory_space<vmem>> -> memref<16x2048xf32, #tpu.memory_space<vmem>>
      tpu.enqueue_dma source(%dma_start3A_276 : memref<16x2048xf32, #tpu.memory_space<vmem>>) target(%dma_start3A_273 : memref<16x2048xf32, #tpu.memory_space<hbm>>) target_semaphore(%arg7 : memref<!tpu.dma_semaphore, #tpu.memory_space<semaphore_mem>>)
      %dma_wait3A_277 = arith.constant 0 : i32
      %dma_wait3A_278 = arith.constant 0 : i32
      %dma_wait3A_279 = tpu.memref_slice %arg4[%dma_wait3A_277, %dma_wait3A_278] : memref<16x2944xf32, #tpu.memory_space<vmem>> -> memref<16x2048xf32, #tpu.memory_space<vmem>>
      %dma_wait3A_280 = arith.constant 0 : i32
      %dma_wait3A_281 = arith.constant 0 : i32
      %dma_wait3A_282 = tpu.memref_slice %arg3[%select_n3A, %dma_wait3A_280, %dma_wait3A_281] : memref<16x2048x2048xf32, #tpu.memory_space<hbm>> -> memref<1x16x2048xf32, #tpu.memory_space<hbm>>
      %dma_wait3A_283 = tpu.memref_squeeze %dma_wait3A_282 : memref<1x16x2048xf32, #tpu.memory_space<hbm>> -> memref<16x2048xf32, #tpu.memory_space<hbm>>
      %dma_wait3A_284 = arith.constant 0 : i32
      %dma_wait3A_285 = arith.constant 0 : i32
      %dma_wait3A_286 = tpu.memref_slice %arg3[%select_n3A, %dma_wait3A_284, %dma_wait3A_285] : memref<16x2048x2048xf32, #tpu.memory_space<hbm>> -> memref<1x16x2048xf32, #tpu.memory_space<hbm>>
      %dma_wait3A_287 = tpu.memref_squeeze %dma_wait3A_286 : memref<1x16x2048xf32, #tpu.memory_space<hbm>> -> memref<16x2048xf32, #tpu.memory_space<hbm>>
      %dma_wait3A_288 = arith.constant 0 : i32
      %dma_wait3A_289 = arith.constant 0 : i32
      %dma_wait3A_290 = tpu.memref_slice %arg4[%dma_wait3A_288, %dma_wait3A_289] : memref<16x2944xf32, #tpu.memory_space<vmem>> -> memref<16x2048xf32, #tpu.memory_space<vmem>>
      tpu.wait_dma2 semaphore(%arg8 : memref<!tpu.dma_semaphore, #tpu.memory_space<semaphore_mem>>) src(%dma_wait3A_290 : memref<16x2048xf32, #tpu.memory_space<vmem>>) dst(%dma_wait3A_287 : memref<16x2048xf32, #tpu.memory_space<hbm>>)
      %mul3A_291 = arith.constant 64 : i32
      %mul3A_292 = arith.muli %mul3A_291, %select_n3A_30 : i32
      %add3A_293 = arith.addi %add3A_106, %mul3A_292 : i32
      %add3A_294 = arith.constant 48 : i32
      %add3A_295 = arith.addi %add3A_293, %add3A_294 : i32
      %mul3A_296 = arith.constant 16 : i32
      %mul3A_297 = arith.muli %mul3A_296, %add3A_295 : i32
      %multiple_of3A_298 = tpu.assume_multiple %mul3A_297, 8 : i32
      %dma_start3A_299 = arith.constant 0 : i32
      %dma_start3A_300 = arith.constant 128 : i32
      %dma_start3A_301 = tpu.memref_slice %arg4[%dma_start3A_299, %dma_start3A_300] : memref<16x2944xf32, #tpu.memory_space<vmem>> -> memref<16x2048xf32, #tpu.memory_space<vmem>>
      %dma_start3A_302 = arith.constant 0 : i32
      %dma_start3A_303 = tpu.memref_slice %arg3[%select_n3A, %multiple_of3A_298, %dma_start3A_302] : memref<16x2048x2048xf32, #tpu.memory_space<hbm>> -> memref<1x16x2048xf32, #tpu.memory_space<hbm>>
      %dma_start3A_304 = tpu.memref_squeeze %dma_start3A_303 : memref<1x16x2048xf32, #tpu.memory_space<hbm>> -> memref<16x2048xf32, #tpu.memory_space<hbm>>
      %dma_start3A_305 = arith.constant 0 : i32
      %dma_start3A_306 = tpu.memref_slice %arg3[%select_n3A, %multiple_of3A_298, %dma_start3A_305] : memref<16x2048x2048xf32, #tpu.memory_space<hbm>> -> memref<1x16x2048xf32, #tpu.memory_space<hbm>>
      %dma_start3A_307 = tpu.memref_squeeze %dma_start3A_306 : memref<1x16x2048xf32, #tpu.memory_space<hbm>> -> memref<16x2048xf32, #tpu.memory_space<hbm>>
      %dma_start3A_308 = arith.constant 0 : i32
      %dma_start3A_309 = arith.constant 128 : i32
      %dma_start3A_310 = tpu.memref_slice %arg4[%dma_start3A_308, %dma_start3A_309] : memref<16x2944xf32, #tpu.memory_space<vmem>> -> memref<16x2048xf32, #tpu.memory_space<vmem>>
      tpu.enqueue_dma source(%dma_start3A_310 : memref<16x2048xf32, #tpu.memory_space<vmem>>) target(%dma_start3A_307 : memref<16x2048xf32, #tpu.memory_space<hbm>>) target_semaphore(%arg8 : memref<!tpu.dma_semaphore, #tpu.memory_space<semaphore_mem>>)
      %dma_wait3A_311 = arith.constant 0 : i32
      %dma_wait3A_312 = arith.constant 0 : i32
      %dma_wait3A_313 = tpu.memref_slice %arg4[%dma_wait3A_311, %dma_wait3A_312] : memref<16x2944xf32, #tpu.memory_space<vmem>> -> memref<16x2048xf32, #tpu.memory_space<vmem>>
      %dma_wait3A_314 = arith.constant 0 : i32
      %dma_wait3A_315 = arith.constant 0 : i32
      %dma_wait3A_316 = tpu.memref_slice %arg3[%select_n3A, %dma_wait3A_314, %dma_wait3A_315] : memref<16x2048x2048xf32, #tpu.memory_space<hbm>> -> memref<1x16x2048xf32, #tpu.memory_space<hbm>>
      %dma_wait3A_317 = tpu.memref_squeeze %dma_wait3A_316 : memref<1x16x2048xf32, #tpu.memory_space<hbm>> -> memref<16x2048xf32, #tpu.memory_space<hbm>>
      %dma_wait3A_318 = arith.constant 0 : i32
      %dma_wait3A_319 = arith.constant 0 : i32
      %dma_wait3A_320 = tpu.memref_slice %arg3[%select_n3A, %dma_wait3A_318, %dma_wait3A_319] : memref<16x2048x2048xf32, #tpu.memory_space<hbm>> -> memref<1x16x2048xf32, #tpu.memory_space<hbm>>
      %dma_wait3A_321 = tpu.memref_squeeze %dma_wait3A_320 : memref<1x16x2048xf32, #tpu.memory_space<hbm>> -> memref<16x2048xf32, #tpu.memory_space<hbm>>
      %dma_wait3A_322 = arith.constant 0 : i32
      %dma_wait3A_323 = arith.constant 0 : i32
      %dma_wait3A_324 = tpu.memref_slice %arg4[%dma_wait3A_322, %dma_wait3A_323] : memref<16x2944xf32, #tpu.memory_space<vmem>> -> memref<16x2048xf32, #tpu.memory_space<vmem>>
      tpu.wait_dma2 semaphore(%arg9 : memref<!tpu.dma_semaphore, #tpu.memory_space<semaphore_mem>>) src(%dma_wait3A_324 : memref<16x2048xf32, #tpu.memory_space<vmem>>) dst(%dma_wait3A_321 : memref<16x2048xf32, #tpu.memory_space<hbm>>)
      %mul3A_325 = arith.constant 64 : i32
      %mul3A_326 = arith.muli %mul3A_325, %select_n3A_30 : i32
      %add3A_327 = arith.addi %add3A_106, %mul3A_326 : i32
      %add3A_328 = arith.constant 56 : i32
      %add3A_329 = arith.addi %add3A_327, %add3A_328 : i32
      %mul3A_330 = arith.constant 16 : i32
      %mul3A_331 = arith.muli %mul3A_330, %add3A_329 : i32
      %multiple_of3A_332 = tpu.assume_multiple %mul3A_331, 8 : i32
      %dma_start3A_333 = arith.constant 0 : i32
      %dma_start3A_334 = arith.constant 0 : i32
      %dma_start3A_335 = tpu.memref_slice %arg4[%dma_start3A_333, %dma_start3A_334] : memref<16x2944xf32, #tpu.memory_space<vmem>> -> memref<16x2048xf32, #tpu.memory_space<vmem>>
      %dma_start3A_336 = arith.constant 0 : i32
      %dma_start3A_337 = tpu.memref_slice %arg3[%select_n3A, %multiple_of3A_332, %dma_start3A_336] : memref<16x2048x2048xf32, #tpu.memory_space<hbm>> -> memref<1x16x2048xf32, #tpu.memory_space<hbm>>
      %dma_start3A_338 = tpu.memref_squeeze %dma_start3A_337 : memref<1x16x2048xf32, #tpu.memory_space<hbm>> -> memref<16x2048xf32, #tpu.memory_space<hbm>>
      %dma_start3A_339 = arith.constant 0 : i32
      %dma_start3A_340 = tpu.memref_slice %arg3[%select_n3A, %multiple_of3A_332, %dma_start3A_339] : memref<16x2048x2048xf32, #tpu.memory_space<hbm>> -> memref<1x16x2048xf32, #tpu.memory_space<hbm>>
      %dma_start3A_341 = tpu.memref_squeeze %dma_start3A_340 : memref<1x16x2048xf32, #tpu.memory_space<hbm>> -> memref<16x2048xf32, #tpu.memory_space<hbm>>
      %dma_start3A_342 = arith.constant 0 : i32
      %dma_start3A_343 = arith.constant 0 : i32
      %dma_start3A_344 = tpu.memref_slice %arg4[%dma_start3A_342, %dma_start3A_343] : memref<16x2944xf32, #tpu.memory_space<vmem>> -> memref<16x2048xf32, #tpu.memory_space<vmem>>
      tpu.enqueue_dma source(%dma_start3A_344 : memref<16x2048xf32, #tpu.memory_space<vmem>>) target(%dma_start3A_341 : memref<16x2048xf32, #tpu.memory_space<hbm>>) target_semaphore(%arg9 : memref<!tpu.dma_semaphore, #tpu.memory_space<semaphore_mem>>)
      %mul3A_345 = arith.constant 2 : i32
      %mul3A_346 = arith.muli %mul3A_345, %scan3A_102 : i32
      %add3A_347 = arith.constant 1 : i32
      %add3A_348 = arith.addi %mul3A_346, %add3A_347 : i32
      %dma_wait3A_349 = arith.constant 0 : i32
      %dma_wait3A_350 = arith.constant 0 : i32
      %dma_wait3A_351 = arith.constant 0 : i32
      %dma_wait3A_352 = tpu.memref_slice %arg2[%dma_wait3A_349, %dma_wait3A_350, %dma_wait3A_351] : memref<128x16x4224xf32, #tpu.memory_space<hbm>> -> memref<1x16x2944xf32, #tpu.memory_space<hbm>>
      %dma_wait3A_353 = tpu.memref_squeeze %dma_wait3A_352 : memref<1x16x2944xf32, #tpu.memory_space<hbm>> -> memref<16x2944xf32, #tpu.memory_space<hbm>>
      %dma_wait3A_354 = arith.constant 0 : i32
      %dma_wait3A_355 = arith.constant 0 : i32
      %dma_wait3A_356 = tpu.memref_slice %arg2[%dma_wait3A_349, %dma_wait3A_354, %dma_wait3A_355] : memref<128x16x4224xf32, #tpu.memory_space<hbm>> -> memref<1x16x2944xf32, #tpu.memory_space<hbm>>
      %dma_wait3A_357 = tpu.memref_squeeze %dma_wait3A_356 : memref<1x16x2944xf32, #tpu.memory_space<hbm>> -> memref<16x2944xf32, #tpu.memory_space<hbm>>
      tpu.wait_dma2 semaphore(%arg15 : memref<!tpu.dma_semaphore, #tpu.memory_space<semaphore_mem>>) src(%dma_wait3A_357 : memref<16x2944xf32, #tpu.memory_space<hbm>>) dst(%arg5 : memref<16x2944xf32, #tpu.memory_space<vmem>>)
      %mul3A_358 = arith.constant 64 : i32
      %mul3A_359 = arith.muli %mul3A_358, %select_n3A_30 : i32
      %add3A_360 = arith.addi %add3A_348, %mul3A_359 : i32
      %add3A_361 = arith.constant 0 : i32
      %add3A_362 = arith.addi %add3A_360, %add3A_361 : i32
      %mul3A_363 = arith.constant 16 : i32
      %mul3A_364 = arith.muli %mul3A_363, %add3A_362 : i32
      %multiple_of3A_365 = tpu.assume_multiple %mul3A_364, 8 : i32
      %dma_start3A_366 = arith.constant 0 : i32
      %dma_start3A_367 = arith.constant 896 : i32
      %dma_start3A_368 = tpu.memref_slice %arg5[%dma_start3A_366, %dma_start3A_367] : memref<16x2944xf32, #tpu.memory_space<vmem>> -> memref<16x2048xf32, #tpu.memory_space<vmem>>
      %dma_start3A_369 = arith.constant 0 : i32
      %dma_start3A_370 = tpu.memref_slice %arg3[%select_n3A, %multiple_of3A_365, %dma_start3A_369] : memref<16x2048x2048xf32, #tpu.memory_space<hbm>> -> memref<1x16x2048xf32, #tpu.memory_space<hbm>>
      %dma_start3A_371 = tpu.memref_squeeze %dma_start3A_370 : memref<1x16x2048xf32, #tpu.memory_space<hbm>> -> memref<16x2048xf32, #tpu.memory_space<hbm>>
      %dma_start3A_372 = arith.constant 0 : i32
      %dma_start3A_373 = tpu.memref_slice %arg3[%select_n3A, %multiple_of3A_365, %dma_start3A_372] : memref<16x2048x2048xf32, #tpu.memory_space<hbm>> -> memref<1x16x2048xf32, #tpu.memory_space<hbm>>
      %dma_start3A_374 = tpu.memref_squeeze %dma_start3A_373 : memref<1x16x2048xf32, #tpu.memory_space<hbm>> -> memref<16x2048xf32, #tpu.memory_space<hbm>>
      %dma_start3A_375 = arith.constant 0 : i32
      %dma_start3A_376 = arith.constant 896 : i32
      %dma_start3A_377 = tpu.memref_slice %arg5[%dma_start3A_375, %dma_start3A_376] : memref<16x2944xf32, #tpu.memory_space<vmem>> -> memref<16x2048xf32, #tpu.memory_space<vmem>>
      tpu.enqueue_dma source(%dma_start3A_377 : memref<16x2048xf32, #tpu.memory_space<vmem>>) target(%dma_start3A_374 : memref<16x2048xf32, #tpu.memory_space<hbm>>) target_semaphore(%arg10 : memref<!tpu.dma_semaphore, #tpu.memory_space<semaphore_mem>>)
      %mul3A_378 = arith.constant 64 : i32
      %mul3A_379 = arith.muli %mul3A_378, %select_n3A_30 : i32
      %add3A_380 = arith.addi %add3A_348, %mul3A_379 : i32
      %add3A_381 = arith.constant 8 : i32
      %add3A_382 = arith.addi %add3A_380, %add3A_381 : i32
      %mul3A_383 = arith.constant 16 : i32
      %mul3A_384 = arith.muli %mul3A_383, %add3A_382 : i32
      %multiple_of3A_385 = tpu.assume_multiple %mul3A_384, 8 : i32
      %dma_start3A_386 = arith.constant 0 : i32
      %dma_start3A_387 = arith.constant 768 : i32
      %dma_start3A_388 = tpu.memref_slice %arg5[%dma_start3A_386, %dma_start3A_387] : memref<16x2944xf32, #tpu.memory_space<vmem>> -> memref<16x2048xf32, #tpu.memory_space<vmem>>
      %dma_start3A_389 = arith.constant 0 : i32
      %dma_start3A_390 = tpu.memref_slice %arg3[%select_n3A, %multiple_of3A_385, %dma_start3A_389] : memref<16x2048x2048xf32, #tpu.memory_space<hbm>> -> memref<1x16x2048xf32, #tpu.memory_space<hbm>>
      %dma_start3A_391 = tpu.memref_squeeze %dma_start3A_390 : memref<1x16x2048xf32, #tpu.memory_space<hbm>> -> memref<16x2048xf32, #tpu.memory_space<hbm>>
      %dma_start3A_392 = arith.constant 0 : i32
      %dma_start3A_393 = tpu.memref_slice %arg3[%select_n3A, %multiple_of3A_385, %dma_start3A_392] : memref<16x2048x2048xf32, #tpu.memory_space<hbm>> -> memref<1x16x2048xf32, #tpu.memory_space<hbm>>
      %dma_start3A_394 = tpu.memref_squeeze %dma_start3A_393 : memref<1x16x2048xf32, #tpu.memory_space<hbm>> -> memref<16x2048xf32, #tpu.memory_space<hbm>>
      %dma_start3A_395 = arith.constant 0 : i32
      %dma_start3A_396 = arith.constant 768 : i32
      %dma_start3A_397 = tpu.memref_slice %arg5[%dma_start3A_395, %dma_start3A_396] : memref<16x2944xf32, #tpu.memory_space<vmem>> -> memref<16x2048xf32, #tpu.memory_space<vmem>>
      tpu.enqueue_dma source(%dma_start3A_397 : memref<16x2048xf32, #tpu.memory_space<vmem>>) target(%dma_start3A_394 : memref<16x2048xf32, #tpu.memory_space<hbm>>) target_semaphore(%arg11 : memref<!tpu.dma_semaphore, #tpu.memory_space<semaphore_mem>>)
      %mul3A_398 = arith.constant 64 : i32
      %mul3A_399 = arith.muli %mul3A_398, %select_n3A_30 : i32
      %add3A_400 = arith.addi %add3A_348, %mul3A_399 : i32
      %add3A_401 = arith.constant 16 : i32
      %add3A_402 = arith.addi %add3A_400, %add3A_401 : i32
      %mul3A_403 = arith.constant 16 : i32
      %mul3A_404 = arith.muli %mul3A_403, %add3A_402 : i32
      %multiple_of3A_405 = tpu.assume_multiple %mul3A_404, 8 : i32
      %dma_start3A_406 = arith.constant 0 : i32
      %dma_start3A_407 = arith.constant 640 : i32
      %dma_start3A_408 = tpu.memref_slice %arg5[%dma_start3A_406, %dma_start3A_407] : memref<16x2944xf32, #tpu.memory_space<vmem>> -> memref<16x2048xf32, #tpu.memory_space<vmem>>
      %dma_start3A_409 = arith.constant 0 : i32
      %dma_start3A_410 = tpu.memref_slice %arg3[%select_n3A, %multiple_of3A_405, %dma_start3A_409] : memref<16x2048x2048xf32, #tpu.memory_space<hbm>> -> memref<1x16x2048xf32, #tpu.memory_space<hbm>>
      %dma_start3A_411 = tpu.memref_squeeze %dma_start3A_410 : memref<1x16x2048xf32, #tpu.memory_space<hbm>> -> memref<16x2048xf32, #tpu.memory_space<hbm>>
      %dma_start3A_412 = arith.constant 0 : i32
      %dma_start3A_413 = tpu.memref_slice %arg3[%select_n3A, %multiple_of3A_405, %dma_start3A_412] : memref<16x2048x2048xf32, #tpu.memory_space<hbm>> -> memref<1x16x2048xf32, #tpu.memory_space<hbm>>
      %dma_start3A_414 = tpu.memref_squeeze %dma_start3A_413 : memref<1x16x2048xf32, #tpu.memory_space<hbm>> -> memref<16x2048xf32, #tpu.memory_space<hbm>>
      %dma_start3A_415 = arith.constant 0 : i32
      %dma_start3A_416 = arith.constant 640 : i32
      %dma_start3A_417 = tpu.memref_slice %arg5[%dma_start3A_415, %dma_start3A_416] : memref<16x2944xf32, #tpu.memory_space<vmem>> -> memref<16x2048xf32, #tpu.memory_space<vmem>>
      tpu.enqueue_dma source(%dma_start3A_417 : memref<16x2048xf32, #tpu.memory_space<vmem>>) target(%dma_start3A_414 : memref<16x2048xf32, #tpu.memory_space<hbm>>) target_semaphore(%arg12 : memref<!tpu.dma_semaphore, #tpu.memory_space<semaphore_mem>>)
      %mul3A_418 = arith.constant 64 : i32
      %mul3A_419 = arith.muli %mul3A_418, %select_n3A_30 : i32
      %add3A_420 = arith.addi %add3A_348, %mul3A_419 : i32
      %add3A_421 = arith.constant 24 : i32
      %add3A_422 = arith.addi %add3A_420, %add3A_421 : i32
      %mul3A_423 = arith.constant 16 : i32
      %mul3A_424 = arith.muli %mul3A_423, %add3A_422 : i32
      %multiple_of3A_425 = tpu.assume_multiple %mul3A_424, 8 : i32
      %dma_start3A_426 = arith.constant 0 : i32
      %dma_start3A_427 = arith.constant 512 : i32
      %dma_start3A_428 = tpu.memref_slice %arg5[%dma_start3A_426, %dma_start3A_427] : memref<16x2944xf32, #tpu.memory_space<vmem>> -> memref<16x2048xf32, #tpu.memory_space<vmem>>
      %dma_start3A_429 = arith.constant 0 : i32
      %dma_start3A_430 = tpu.memref_slice %arg3[%select_n3A, %multiple_of3A_425, %dma_start3A_429] : memref<16x2048x2048xf32, #tpu.memory_space<hbm>> -> memref<1x16x2048xf32, #tpu.memory_space<hbm>>
      %dma_start3A_431 = tpu.memref_squeeze %dma_start3A_430 : memref<1x16x2048xf32, #tpu.memory_space<hbm>> -> memref<16x2048xf32, #tpu.memory_space<hbm>>
      %dma_start3A_432 = arith.constant 0 : i32
      %dma_start3A_433 = tpu.memref_slice %arg3[%select_n3A, %multiple_of3A_425, %dma_start3A_432] : memref<16x2048x2048xf32, #tpu.memory_space<hbm>> -> memref<1x16x2048xf32, #tpu.memory_space<hbm>>
      %dma_start3A_434 = tpu.memref_squeeze %dma_start3A_433 : memref<1x16x2048xf32, #tpu.memory_space<hbm>> -> memref<16x2048xf32, #tpu.memory_space<hbm>>
      %dma_start3A_435 = arith.constant 0 : i32
      %dma_start3A_436 = arith.constant 512 : i32
      %dma_start3A_437 = tpu.memref_slice %arg5[%dma_start3A_435, %dma_start3A_436] : memref<16x2944xf32, #tpu.memory_space<vmem>> -> memref<16x2048xf32, #tpu.memory_space<vmem>>
      tpu.enqueue_dma source(%dma_start3A_437 : memref<16x2048xf32, #tpu.memory_space<vmem>>) target(%dma_start3A_434 : memref<16x2048xf32, #tpu.memory_space<hbm>>) target_semaphore(%arg13 : memref<!tpu.dma_semaphore, #tpu.memory_space<semaphore_mem>>)
      %dma_wait3A_438 = arith.constant 0 : i32
      %dma_wait3A_439 = arith.constant 0 : i32
      %dma_wait3A_440 = tpu.memref_slice %arg4[%dma_wait3A_438, %dma_wait3A_439] : memref<16x2944xf32, #tpu.memory_space<vmem>> -> memref<16x2048xf32, #tpu.memory_space<vmem>>
      %dma_wait3A_441 = arith.constant 0 : i32
      %dma_wait3A_442 = arith.constant 0 : i32
      %dma_wait3A_443 = tpu.memref_slice %arg3[%select_n3A, %dma_wait3A_441, %dma_wait3A_442] : memref<16x2048x2048xf32, #tpu.memory_space<hbm>> -> memref<1x16x2048xf32, #tpu.memory_space<hbm>>
      %dma_wait3A_444 = tpu.memref_squeeze %dma_wait3A_443 : memref<1x16x2048xf32, #tpu.memory_space<hbm>> -> memref<16x2048xf32, #tpu.memory_space<hbm>>
      %dma_wait3A_445 = arith.constant 0 : i32
      %dma_wait3A_446 = arith.constant 0 : i32
      %dma_wait3A_447 = tpu.memref_slice %arg3[%select_n3A, %dma_wait3A_445, %dma_wait3A_446] : memref<16x2048x2048xf32, #tpu.memory_space<hbm>> -> memref<1x16x2048xf32, #tpu.memory_space<hbm>>
      %dma_wait3A_448 = tpu.memref_squeeze %dma_wait3A_447 : memref<1x16x2048xf32, #tpu.memory_space<hbm>> -> memref<16x2048xf32, #tpu.memory_space<hbm>>
      %dma_wait3A_449 = arith.constant 0 : i32
      %dma_wait3A_450 = arith.constant 0 : i32
      %dma_wait3A_451 = tpu.memref_slice %arg4[%dma_wait3A_449, %dma_wait3A_450] : memref<16x2944xf32, #tpu.memory_space<vmem>> -> memref<16x2048xf32, #tpu.memory_space<vmem>>
      tpu.wait_dma2 semaphore(%arg6 : memref<!tpu.dma_semaphore, #tpu.memory_space<semaphore_mem>>) src(%dma_wait3A_451 : memref<16x2048xf32, #tpu.memory_space<vmem>>) dst(%dma_wait3A_448 : memref<16x2048xf32, #tpu.memory_space<hbm>>)
      %dma_wait3A_452 = arith.constant 0 : i32
      %dma_wait3A_453 = arith.constant 0 : i32
      %dma_wait3A_454 = tpu.memref_slice %arg4[%dma_wait3A_452, %dma_wait3A_453] : memref<16x2944xf32, #tpu.memory_space<vmem>> -> memref<16x2048xf32, #tpu.memory_space<vmem>>
      %dma_wait3A_455 = arith.constant 0 : i32
      %dma_wait3A_456 = arith.constant 0 : i32
      %dma_wait3A_457 = tpu.memref_slice %arg3[%select_n3A, %dma_wait3A_455, %dma_wait3A_456] : memref<16x2048x2048xf32, #tpu.memory_space<hbm>> -> memref<1x16x2048xf32, #tpu.memory_space<hbm>>
      %dma_wait3A_458 = tpu.memref_squeeze %dma_wait3A_457 : memref<1x16x2048xf32, #tpu.memory_space<hbm>> -> memref<16x2048xf32, #tpu.memory_space<hbm>>
      %dma_wait3A_459 = arith.constant 0 : i32
      %dma_wait3A_460 = arith.constant 0 : i32
      %dma_wait3A_461 = tpu.memref_slice %arg3[%select_n3A, %dma_wait3A_459, %dma_wait3A_460] : memref<16x2048x2048xf32, #tpu.memory_space<hbm>> -> memref<1x16x2048xf32, #tpu.memory_space<hbm>>
      %dma_wait3A_462 = tpu.memref_squeeze %dma_wait3A_461 : memref<1x16x2048xf32, #tpu.memory_space<hbm>> -> memref<16x2048xf32, #tpu.memory_space<hbm>>
      %dma_wait3A_463 = arith.constant 0 : i32
      %dma_wait3A_464 = arith.constant 0 : i32
      %dma_wait3A_465 = tpu.memref_slice %arg4[%dma_wait3A_463, %dma_wait3A_464] : memref<16x2944xf32, #tpu.memory_space<vmem>> -> memref<16x2048xf32, #tpu.memory_space<vmem>>
      tpu.wait_dma2 semaphore(%arg7 : memref<!tpu.dma_semaphore, #tpu.memory_space<semaphore_mem>>) src(%dma_wait3A_465 : memref<16x2048xf32, #tpu.memory_space<vmem>>) dst(%dma_wait3A_462 : memref<16x2048xf32, #tpu.memory_space<hbm>>)
      %dma_wait3A_466 = arith.constant 0 : i32
      %dma_wait3A_467 = arith.constant 0 : i32
      %dma_wait3A_468 = tpu.memref_slice %arg4[%dma_wait3A_466, %dma_wait3A_467] : memref<16x2944xf32, #tpu.memory_space<vmem>> -> memref<16x2048xf32, #tpu.memory_space<vmem>>
      %dma_wait3A_469 = arith.constant 0 : i32
      %dma_wait3A_470 = arith.constant 0 : i32
      %dma_wait3A_471 = tpu.memref_slice %arg3[%select_n3A, %dma_wait3A_469, %dma_wait3A_470] : memref<16x2048x2048xf32, #tpu.memory_space<hbm>> -> memref<1x16x2048xf32, #tpu.memory_space<hbm>>
      %dma_wait3A_472 = tpu.memref_squeeze %dma_wait3A_471 : memref<1x16x2048xf32, #tpu.memory_space<hbm>> -> memref<16x2048xf32, #tpu.memory_space<hbm>>
      %dma_wait3A_473 = arith.constant 0 : i32
      %dma_wait3A_474 = arith.constant 0 : i32
      %dma_wait3A_475 = tpu.memref_slice %arg3[%select_n3A, %dma_wait3A_473, %dma_wait3A_474] : memref<16x2048x2048xf32, #tpu.memory_space<hbm>> -> memref<1x16x2048xf32, #tpu.memory_space<hbm>>
      %dma_wait3A_476 = tpu.memref_squeeze %dma_wait3A_475 : memref<1x16x2048xf32, #tpu.memory_space<hbm>> -> memref<16x2048xf32, #tpu.memory_space<hbm>>
      %dma_wait3A_477 = arith.constant 0 : i32
      %dma_wait3A_478 = arith.constant 0 : i32
      %dma_wait3A_479 = tpu.memref_slice %arg4[%dma_wait3A_477, %dma_wait3A_478] : memref<16x2944xf32, #tpu.memory_space<vmem>> -> memref<16x2048xf32, #tpu.memory_space<vmem>>
      tpu.wait_dma2 semaphore(%arg8 : memref<!tpu.dma_semaphore, #tpu.memory_space<semaphore_mem>>) src(%dma_wait3A_479 : memref<16x2048xf32, #tpu.memory_space<vmem>>) dst(%dma_wait3A_476 : memref<16x2048xf32, #tpu.memory_space<hbm>>)
      %dma_wait3A_480 = arith.constant 0 : i32
      %dma_wait3A_481 = arith.constant 0 : i32
      %dma_wait3A_482 = tpu.memref_slice %arg4[%dma_wait3A_480, %dma_wait3A_481] : memref<16x2944xf32, #tpu.memory_space<vmem>> -> memref<16x2048xf32, #tpu.memory_space<vmem>>
      %dma_wait3A_483 = arith.constant 0 : i32
      %dma_wait3A_484 = arith.constant 0 : i32
      %dma_wait3A_485 = tpu.memref_slice %arg3[%select_n3A, %dma_wait3A_483, %dma_wait3A_484] : memref<16x2048x2048xf32, #tpu.memory_space<hbm>> -> memref<1x16x2048xf32, #tpu.memory_space<hbm>>
      %dma_wait3A_486 = tpu.memref_squeeze %dma_wait3A_485 : memref<1x16x2048xf32, #tpu.memory_space<hbm>> -> memref<16x2048xf32, #tpu.memory_space<hbm>>
      %dma_wait3A_487 = arith.constant 0 : i32
      %dma_wait3A_488 = arith.constant 0 : i32
      %dma_wait3A_489 = tpu.memref_slice %arg3[%select_n3A, %dma_wait3A_487, %dma_wait3A_488] : memref<16x2048x2048xf32, #tpu.memory_space<hbm>> -> memref<1x16x2048xf32, #tpu.memory_space<hbm>>
      %dma_wait3A_490 = tpu.memref_squeeze %dma_wait3A_489 : memref<1x16x2048xf32, #tpu.memory_space<hbm>> -> memref<16x2048xf32, #tpu.memory_space<hbm>>
      %dma_wait3A_491 = arith.constant 0 : i32
      %dma_wait3A_492 = arith.constant 0 : i32
      %dma_wait3A_493 = tpu.memref_slice %arg4[%dma_wait3A_491, %dma_wait3A_492] : memref<16x2944xf32, #tpu.memory_space<vmem>> -> memref<16x2048xf32, #tpu.memory_space<vmem>>
      tpu.wait_dma2 semaphore(%arg9 : memref<!tpu.dma_semaphore, #tpu.memory_space<semaphore_mem>>) src(%dma_wait3A_493 : memref<16x2048xf32, #tpu.memory_space<vmem>>) dst(%dma_wait3A_490 : memref<16x2048xf32, #tpu.memory_space<hbm>>)
      %lt3A_494 = arith.constant 3 : i32
      %lt3A_495 = arith.cmpi slt, %scan3A_102, %lt3A_494 : i32
      %convert_element_type3A_496 = arith.extui %lt3A_495 : i1 to i32
      %cond3A_497 = arith.constant 0 : i32
      %cond3A_498 = arith.cmpi ne, %convert_element_type3A_496, %cond3A_497 : i32
      scf.if %cond3A_498 {
        %add3A_635 = arith.constant 1 : i32
        %add3A_636 = arith.addi %add3A_348, %add3A_635 : i32
        %mul3A_637 = arith.constant 16 : i32
        %mul3A_638 = arith.muli %add3A_636, %mul3A_637 : i32
        %add3A_639 = arith.addi %mul3A_638, %select_n3A : i32
        %dma_start3A_640 = arith.constant 0 : i32
        %dma_start3A_641 = tpu.memref_slice %arg2[%add3A_639, %dma_start3A_640, %multiple_of3A] : memref<128x16x4224xf32, #tpu.memory_space<hbm>> -> memref<1x16x2944xf32, #tpu.memory_space<hbm>>
        %dma_start3A_642 = tpu.memref_squeeze %dma_start3A_641 : memref<1x16x2944xf32, #tpu.memory_space<hbm>> -> memref<16x2944xf32, #tpu.memory_space<hbm>>
        %dma_start3A_643 = arith.constant 0 : i32
        %dma_start3A_644 = tpu.memref_slice %arg2[%add3A_639, %dma_start3A_643, %multiple_of3A] : memref<128x16x4224xf32, #tpu.memory_space<hbm>> -> memref<1x16x2944xf32, #tpu.memory_space<hbm>>
        %dma_start3A_645 = tpu.memref_squeeze %dma_start3A_644 : memref<1x16x2944xf32, #tpu.memory_space<hbm>> -> memref<16x2944xf32, #tpu.memory_space<hbm>>
        tpu.enqueue_dma source(%dma_start3A_645 : memref<16x2944xf32, #tpu.memory_space<hbm>>) target(%arg4 : memref<16x2944xf32, #tpu.memory_space<vmem>>) target_semaphore(%arg14 : memref<!tpu.dma_semaphore, #tpu.memory_space<semaphore_mem>>)
      } else {
      }
      %dma_wait3A_499 = arith.constant 0 : i32
      %dma_wait3A_500 = arith.constant 0 : i32
      %dma_wait3A_501 = tpu.memref_slice %arg5[%dma_wait3A_499, %dma_wait3A_500] : memref<16x2944xf32, #tpu.memory_space<vmem>> -> memref<16x2048xf32, #tpu.memory_space<vmem>>
      %dma_wait3A_502 = arith.constant 0 : i32
      %dma_wait3A_503 = arith.constant 0 : i32
      %dma_wait3A_504 = tpu.memref_slice %arg3[%select_n3A, %dma_wait3A_502, %dma_wait3A_503] : memref<16x2048x2048xf32, #tpu.memory_space<hbm>> -> memref<1x16x2048xf32, #tpu.memory_space<hbm>>
      %dma_wait3A_505 = tpu.memref_squeeze %dma_wait3A_504 : memref<1x16x2048xf32, #tpu.memory_space<hbm>> -> memref<16x2048xf32, #tpu.memory_space<hbm>>
      %dma_wait3A_506 = arith.constant 0 : i32
      %dma_wait3A_507 = arith.constant 0 : i32
      %dma_wait3A_508 = tpu.memref_slice %arg3[%select_n3A, %dma_wait3A_506, %dma_wait3A_507] : memref<16x2048x2048xf32, #tpu.memory_space<hbm>> -> memref<1x16x2048xf32, #tpu.memory_space<hbm>>
      %dma_wait3A_509 = tpu.memref_squeeze %dma_wait3A_508 : memref<1x16x2048xf32, #tpu.memory_space<hbm>> -> memref<16x2048xf32, #tpu.memory_space<hbm>>
      %dma_wait3A_510 = arith.constant 0 : i32
      %dma_wait3A_511 = arith.constant 0 : i32
      %dma_wait3A_512 = tpu.memref_slice %arg5[%dma_wait3A_510, %dma_wait3A_511] : memref<16x2944xf32, #tpu.memory_space<vmem>> -> memref<16x2048xf32, #tpu.memory_space<vmem>>
      tpu.wait_dma2 semaphore(%arg10 : memref<!tpu.dma_semaphore, #tpu.memory_space<semaphore_mem>>) src(%dma_wait3A_512 : memref<16x2048xf32, #tpu.memory_space<vmem>>) dst(%dma_wait3A_509 : memref<16x2048xf32, #tpu.memory_space<hbm>>)
      %mul3A_513 = arith.constant 64 : i32
      %mul3A_514 = arith.muli %mul3A_513, %select_n3A_30 : i32
      %add3A_515 = arith.addi %add3A_348, %mul3A_514 : i32
      %add3A_516 = arith.constant 32 : i32
      %add3A_517 = arith.addi %add3A_515, %add3A_516 : i32
      %mul3A_518 = arith.constant 16 : i32
      %mul3A_519 = arith.muli %mul3A_518, %add3A_517 : i32
      %multiple_of3A_520 = tpu.assume_multiple %mul3A_519, 8 : i32
      %dma_start3A_521 = arith.constant 0 : i32
      %dma_start3A_522 = arith.constant 384 : i32
      %dma_start3A_523 = tpu.memref_slice %arg5[%dma_start3A_521, %dma_start3A_522] : memref<16x2944xf32, #tpu.memory_space<vmem>> -> memref<16x2048xf32, #tpu.memory_space<vmem>>
      %dma_start3A_524 = arith.constant 0 : i32
      %dma_start3A_525 = tpu.memref_slice %arg3[%select_n3A, %multiple_of3A_520, %dma_start3A_524] : memref<16x2048x2048xf32, #tpu.memory_space<hbm>> -> memref<1x16x2048xf32, #tpu.memory_space<hbm>>
      %dma_start3A_526 = tpu.memref_squeeze %dma_start3A_525 : memref<1x16x2048xf32, #tpu.memory_space<hbm>> -> memref<16x2048xf32, #tpu.memory_space<hbm>>
      %dma_start3A_527 = arith.constant 0 : i32
      %dma_start3A_528 = tpu.memref_slice %arg3[%select_n3A, %multiple_of3A_520, %dma_start3A_527] : memref<16x2048x2048xf32, #tpu.memory_space<hbm>> -> memref<1x16x2048xf32, #tpu.memory_space<hbm>>
      %dma_start3A_529 = tpu.memref_squeeze %dma_start3A_528 : memref<1x16x2048xf32, #tpu.memory_space<hbm>> -> memref<16x2048xf32, #tpu.memory_space<hbm>>
      %dma_start3A_530 = arith.constant 0 : i32
      %dma_start3A_531 = arith.constant 384 : i32
      %dma_start3A_532 = tpu.memref_slice %arg5[%dma_start3A_530, %dma_start3A_531] : memref<16x2944xf32, #tpu.memory_space<vmem>> -> memref<16x2048xf32, #tpu.memory_space<vmem>>
      tpu.enqueue_dma source(%dma_start3A_532 : memref<16x2048xf32, #tpu.memory_space<vmem>>) target(%dma_start3A_529 : memref<16x2048xf32, #tpu.memory_space<hbm>>) target_semaphore(%arg10 : memref<!tpu.dma_semaphore, #tpu.memory_space<semaphore_mem>>)
      %dma_wait3A_533 = arith.constant 0 : i32
      %dma_wait3A_534 = arith.constant 0 : i32
      %dma_wait3A_535 = tpu.memref_slice %arg5[%dma_wait3A_533, %dma_wait3A_534] : memref<16x2944xf32, #tpu.memory_space<vmem>> -> memref<16x2048xf32, #tpu.memory_space<vmem>>
      %dma_wait3A_536 = arith.constant 0 : i32
      %dma_wait3A_537 = arith.constant 0 : i32
      %dma_wait3A_538 = tpu.memref_slice %arg3[%select_n3A, %dma_wait3A_536, %dma_wait3A_537] : memref<16x2048x2048xf32, #tpu.memory_space<hbm>> -> memref<1x16x2048xf32, #tpu.memory_space<hbm>>
      %dma_wait3A_539 = tpu.memref_squeeze %dma_wait3A_538 : memref<1x16x2048xf32, #tpu.memory_space<hbm>> -> memref<16x2048xf32, #tpu.memory_space<hbm>>
      %dma_wait3A_540 = arith.constant 0 : i32
      %dma_wait3A_541 = arith.constant 0 : i32
      %dma_wait3A_542 = tpu.memref_slice %arg3[%select_n3A, %dma_wait3A_540, %dma_wait3A_541] : memref<16x2048x2048xf32, #tpu.memory_space<hbm>> -> memref<1x16x2048xf32, #tpu.memory_space<hbm>>
      %dma_wait3A_543 = tpu.memref_squeeze %dma_wait3A_542 : memref<1x16x2048xf32, #tpu.memory_space<hbm>> -> memref<16x2048xf32, #tpu.memory_space<hbm>>
      %dma_wait3A_544 = arith.constant 0 : i32
      %dma_wait3A_545 = arith.constant 0 : i32
      %dma_wait3A_546 = tpu.memref_slice %arg5[%dma_wait3A_544, %dma_wait3A_545] : memref<16x2944xf32, #tpu.memory_space<vmem>> -> memref<16x2048xf32, #tpu.memory_space<vmem>>
      tpu.wait_dma2 semaphore(%arg11 : memref<!tpu.dma_semaphore, #tpu.memory_space<semaphore_mem>>) src(%dma_wait3A_546 : memref<16x2048xf32, #tpu.memory_space<vmem>>) dst(%dma_wait3A_543 : memref<16x2048xf32, #tpu.memory_space<hbm>>)
      %mul3A_547 = arith.constant 64 : i32
      %mul3A_548 = arith.muli %mul3A_547, %select_n3A_30 : i32
      %add3A_549 = arith.addi %add3A_348, %mul3A_548 : i32
      %add3A_550 = arith.constant 40 : i32
      %add3A_551 = arith.addi %add3A_549, %add3A_550 : i32
      %mul3A_552 = arith.constant 16 : i32
      %mul3A_553 = arith.muli %mul3A_552, %add3A_551 : i32
      %multiple_of3A_554 = tpu.assume_multiple %mul3A_553, 8 : i32
      %dma_start3A_555 = arith.constant 0 : i32
      %dma_start3A_556 = arith.constant 256 : i32
      %dma_start3A_557 = tpu.memref_slice %arg5[%dma_start3A_555, %dma_start3A_556] : memref<16x2944xf32, #tpu.memory_space<vmem>> -> memref<16x2048xf32, #tpu.memory_space<vmem>>
      %dma_start3A_558 = arith.constant 0 : i32
      %dma_start3A_559 = tpu.memref_slice %arg3[%select_n3A, %multiple_of3A_554, %dma_start3A_558] : memref<16x2048x2048xf32, #tpu.memory_space<hbm>> -> memref<1x16x2048xf32, #tpu.memory_space<hbm>>
      %dma_start3A_560 = tpu.memref_squeeze %dma_start3A_559 : memref<1x16x2048xf32, #tpu.memory_space<hbm>> -> memref<16x2048xf32, #tpu.memory_space<hbm>>
      %dma_start3A_561 = arith.constant 0 : i32
      %dma_start3A_562 = tpu.memref_slice %arg3[%select_n3A, %multiple_of3A_554, %dma_start3A_561] : memref<16x2048x2048xf32, #tpu.memory_space<hbm>> -> memref<1x16x2048xf32, #tpu.memory_space<hbm>>
      %dma_start3A_563 = tpu.memref_squeeze %dma_start3A_562 : memref<1x16x2048xf32, #tpu.memory_space<hbm>> -> memref<16x2048xf32, #tpu.memory_space<hbm>>
      %dma_start3A_564 = arith.constant 0 : i32
      %dma_start3A_565 = arith.constant 256 : i32
      %dma_start3A_566 = tpu.memref_slice %arg5[%dma_start3A_564, %dma_start3A_565] : memref<16x2944xf32, #tpu.memory_space<vmem>> -> memref<16x2048xf32, #tpu.memory_space<vmem>>
      tpu.enqueue_dma source(%dma_start3A_566 : memref<16x2048xf32, #tpu.memory_space<vmem>>) target(%dma_start3A_563 : memref<16x2048xf32, #tpu.memory_space<hbm>>) target_semaphore(%arg11 : memref<!tpu.dma_semaphore, #tpu.memory_space<semaphore_mem>>)
      %dma_wait3A_567 = arith.constant 0 : i32
      %dma_wait3A_568 = arith.constant 0 : i32
      %dma_wait3A_569 = tpu.memref_slice %arg5[%dma_wait3A_567, %dma_wait3A_568] : memref<16x2944xf32, #tpu.memory_space<vmem>> -> memref<16x2048xf32, #tpu.memory_space<vmem>>
      %dma_wait3A_570 = arith.constant 0 : i32
      %dma_wait3A_571 = arith.constant 0 : i32
      %dma_wait3A_572 = tpu.memref_slice %arg3[%select_n3A, %dma_wait3A_570, %dma_wait3A_571] : memref<16x2048x2048xf32, #tpu.memory_space<hbm>> -> memref<1x16x2048xf32, #tpu.memory_space<hbm>>
      %dma_wait3A_573 = tpu.memref_squeeze %dma_wait3A_572 : memref<1x16x2048xf32, #tpu.memory_space<hbm>> -> memref<16x2048xf32, #tpu.memory_space<hbm>>
      %dma_wait3A_574 = arith.constant 0 : i32
      %dma_wait3A_575 = arith.constant 0 : i32
      %dma_wait3A_576 = tpu.memref_slice %arg3[%select_n3A, %dma_wait3A_574, %dma_wait3A_575] : memref<16x2048x2048xf32, #tpu.memory_space<hbm>> -> memref<1x16x2048xf32, #tpu.memory_space<hbm>>
      %dma_wait3A_577 = tpu.memref_squeeze %dma_wait3A_576 : memref<1x16x2048xf32, #tpu.memory_space<hbm>> -> memref<16x2048xf32, #tpu.memory_space<hbm>>
      %dma_wait3A_578 = arith.constant 0 : i32
      %dma_wait3A_579 = arith.constant 0 : i32
      %dma_wait3A_580 = tpu.memref_slice %arg5[%dma_wait3A_578, %dma_wait3A_579] : memref<16x2944xf32, #tpu.memory_space<vmem>> -> memref<16x2048xf32, #tpu.memory_space<vmem>>
      tpu.wait_dma2 semaphore(%arg12 : memref<!tpu.dma_semaphore, #tpu.memory_space<semaphore_mem>>) src(%dma_wait3A_580 : memref<16x2048xf32, #tpu.memory_space<vmem>>) dst(%dma_wait3A_577 : memref<16x2048xf32, #tpu.memory_space<hbm>>)
      %mul3A_581 = arith.constant 64 : i32
      %mul3A_582 = arith.muli %mul3A_581, %select_n3A_30 : i32
      %add3A_583 = arith.addi %add3A_348, %mul3A_582 : i32
      %add3A_584 = arith.constant 48 : i32
      %add3A_585 = arith.addi %add3A_583, %add3A_584 : i32
      %mul3A_586 = arith.constant 16 : i32
      %mul3A_587 = arith.muli %mul3A_586, %add3A_585 : i32
      %multiple_of3A_588 = tpu.assume_multiple %mul3A_587, 8 : i32
      %dma_start3A_589 = arith.constant 0 : i32
      %dma_start3A_590 = arith.constant 128 : i32
      %dma_start3A_591 = tpu.memref_slice %arg5[%dma_start3A_589, %dma_start3A_590] : memref<16x2944xf32, #tpu.memory_space<vmem>> -> memref<16x2048xf32, #tpu.memory_space<vmem>>
      %dma_start3A_592 = arith.constant 0 : i32
      %dma_start3A_593 = tpu.memref_slice %arg3[%select_n3A, %multiple_of3A_588, %dma_start3A_592] : memref<16x2048x2048xf32, #tpu.memory_space<hbm>> -> memref<1x16x2048xf32, #tpu.memory_space<hbm>>
      %dma_start3A_594 = tpu.memref_squeeze %dma_start3A_593 : memref<1x16x2048xf32, #tpu.memory_space<hbm>> -> memref<16x2048xf32, #tpu.memory_space<hbm>>
      %dma_start3A_595 = arith.constant 0 : i32
      %dma_start3A_596 = tpu.memref_slice %arg3[%select_n3A, %multiple_of3A_588, %dma_start3A_595] : memref<16x2048x2048xf32, #tpu.memory_space<hbm>> -> memref<1x16x2048xf32, #tpu.memory_space<hbm>>
      %dma_start3A_597 = tpu.memref_squeeze %dma_start3A_596 : memref<1x16x2048xf32, #tpu.memory_space<hbm>> -> memref<16x2048xf32, #tpu.memory_space<hbm>>
      %dma_start3A_598 = arith.constant 0 : i32
      %dma_start3A_599 = arith.constant 128 : i32
      %dma_start3A_600 = tpu.memref_slice %arg5[%dma_start3A_598, %dma_start3A_599] : memref<16x2944xf32, #tpu.memory_space<vmem>> -> memref<16x2048xf32, #tpu.memory_space<vmem>>
      tpu.enqueue_dma source(%dma_start3A_600 : memref<16x2048xf32, #tpu.memory_space<vmem>>) target(%dma_start3A_597 : memref<16x2048xf32, #tpu.memory_space<hbm>>) target_semaphore(%arg12 : memref<!tpu.dma_semaphore, #tpu.memory_space<semaphore_mem>>)
      %dma_wait3A_601 = arith.constant 0 : i32
      %dma_wait3A_602 = arith.constant 0 : i32
      %dma_wait3A_603 = tpu.memref_slice %arg5[%dma_wait3A_601, %dma_wait3A_602] : memref<16x2944xf32, #tpu.memory_space<vmem>> -> memref<16x2048xf32, #tpu.memory_space<vmem>>
      %dma_wait3A_604 = arith.constant 0 : i32
      %dma_wait3A_605 = arith.constant 0 : i32
      %dma_wait3A_606 = tpu.memref_slice %arg3[%select_n3A, %dma_wait3A_604, %dma_wait3A_605] : memref<16x2048x2048xf32, #tpu.memory_space<hbm>> -> memref<1x16x2048xf32, #tpu.memory_space<hbm>>
      %dma_wait3A_607 = tpu.memref_squeeze %dma_wait3A_606 : memref<1x16x2048xf32, #tpu.memory_space<hbm>> -> memref<16x2048xf32, #tpu.memory_space<hbm>>
      %dma_wait3A_608 = arith.constant 0 : i32
      %dma_wait3A_609 = arith.constant 0 : i32
      %dma_wait3A_610 = tpu.memref_slice %arg3[%select_n3A, %dma_wait3A_608, %dma_wait3A_609] : memref<16x2048x2048xf32, #tpu.memory_space<hbm>> -> memref<1x16x2048xf32, #tpu.memory_space<hbm>>
      %dma_wait3A_611 = tpu.memref_squeeze %dma_wait3A_610 : memref<1x16x2048xf32, #tpu.memory_space<hbm>> -> memref<16x2048xf32, #tpu.memory_space<hbm>>
      %dma_wait3A_612 = arith.constant 0 : i32
      %dma_wait3A_613 = arith.constant 0 : i32
      %dma_wait3A_614 = tpu.memref_slice %arg5[%dma_wait3A_612, %dma_wait3A_613] : memref<16x2944xf32, #tpu.memory_space<vmem>> -> memref<16x2048xf32, #tpu.memory_space<vmem>>
      tpu.wait_dma2 semaphore(%arg13 : memref<!tpu.dma_semaphore, #tpu.memory_space<semaphore_mem>>) src(%dma_wait3A_614 : memref<16x2048xf32, #tpu.memory_space<vmem>>) dst(%dma_wait3A_611 : memref<16x2048xf32, #tpu.memory_space<hbm>>)
      %mul3A_615 = arith.constant 64 : i32
      %mul3A_616 = arith.muli %mul3A_615, %select_n3A_30 : i32
      %add3A_617 = arith.addi %add3A_348, %mul3A_616 : i32
      %add3A_618 = arith.constant 56 : i32
      %add3A_619 = arith.addi %add3A_617, %add3A_618 : i32
      %mul3A_620 = arith.constant 16 : i32
      %mul3A_621 = arith.muli %mul3A_620, %add3A_619 : i32
      %multiple_of3A_622 = tpu.assume_multiple %mul3A_621, 8 : i32
      %dma_start3A_623 = arith.constant 0 : i32
      %dma_start3A_624 = arith.constant 0 : i32
      %dma_start3A_625 = tpu.memref_slice %arg5[%dma_start3A_623, %dma_start3A_624] : memref<16x2944xf32, #tpu.memory_space<vmem>> -> memref<16x2048xf32, #tpu.memory_space<vmem>>
      %dma_start3A_626 = arith.constant 0 : i32
      %dma_start3A_627 = tpu.memref_slice %arg3[%select_n3A, %multiple_of3A_622, %dma_start3A_626] : memref<16x2048x2048xf32, #tpu.memory_space<hbm>> -> memref<1x16x2048xf32, #tpu.memory_space<hbm>>
      %dma_start3A_628 = tpu.memref_squeeze %dma_start3A_627 : memref<1x16x2048xf32, #tpu.memory_space<hbm>> -> memref<16x2048xf32, #tpu.memory_space<hbm>>
      %dma_start3A_629 = arith.constant 0 : i32
      %dma_start3A_630 = tpu.memref_slice %arg3[%select_n3A, %multiple_of3A_622, %dma_start3A_629] : memref<16x2048x2048xf32, #tpu.memory_space<hbm>> -> memref<1x16x2048xf32, #tpu.memory_space<hbm>>
      %dma_start3A_631 = tpu.memref_squeeze %dma_start3A_630 : memref<1x16x2048xf32, #tpu.memory_space<hbm>> -> memref<16x2048xf32, #tpu.memory_space<hbm>>
      %dma_start3A_632 = arith.constant 0 : i32
      %dma_start3A_633 = arith.constant 0 : i32
      %dma_start3A_634 = tpu.memref_slice %arg5[%dma_start3A_632, %dma_start3A_633] : memref<16x2944xf32, #tpu.memory_space<vmem>> -> memref<16x2048xf32, #tpu.memory_space<vmem>>
      tpu.enqueue_dma source(%dma_start3A_634 : memref<16x2048xf32, #tpu.memory_space<vmem>>) target(%dma_start3A_631 : memref<16x2048xf32, #tpu.memory_space<hbm>>) target_semaphore(%arg13 : memref<!tpu.dma_semaphore, #tpu.memory_space<semaphore_mem>>)
    }
    %scan3A_46 = arith.constant 4 : i32
    %dma_wait3A = arith.constant 0 : i32
    %dma_wait3A_47 = arith.constant 0 : i32
    %dma_wait3A_48 = tpu.memref_slice %arg5[%dma_wait3A, %dma_wait3A_47] : memref<16x2944xf32, #tpu.memory_space<vmem>> -> memref<16x2048xf32, #tpu.memory_space<vmem>>
    %dma_wait3A_49 = arith.constant 0 : i32
    %dma_wait3A_50 = arith.constant 0 : i32
    %dma_wait3A_51 = tpu.memref_slice %arg3[%select_n3A, %dma_wait3A_49, %dma_wait3A_50] : memref<16x2048x2048xf32, #tpu.memory_space<hbm>> -> memref<1x16x2048xf32, #tpu.memory_space<hbm>>
    %dma_wait3A_52 = tpu.memref_squeeze %dma_wait3A_51 : memref<1x16x2048xf32, #tpu.memory_space<hbm>> -> memref<16x2048xf32, #tpu.memory_space<hbm>>
    %dma_wait3A_53 = arith.constant 0 : i32
    %dma_wait3A_54 = arith.constant 0 : i32
    %dma_wait3A_55 = tpu.memref_slice %arg3[%select_n3A, %dma_wait3A_53, %dma_wait3A_54] : memref<16x2048x2048xf32, #tpu.memory_space<hbm>> -> memref<1x16x2048xf32, #tpu.memory_space<hbm>>
    %dma_wait3A_56 = tpu.memref_squeeze %dma_wait3A_55 : memref<1x16x2048xf32, #tpu.memory_space<hbm>> -> memref<16x2048xf32, #tpu.memory_space<hbm>>
    %dma_wait3A_57 = arith.constant 0 : i32
    %dma_wait3A_58 = arith.constant 0 : i32
    %dma_wait3A_59 = tpu.memref_slice %arg5[%dma_wait3A_57, %dma_wait3A_58] : memref<16x2944xf32, #tpu.memory_space<vmem>> -> memref<16x2048xf32, #tpu.memory_space<vmem>>
    tpu.wait_dma2 semaphore(%arg10 : memref<!tpu.dma_semaphore, #tpu.memory_space<semaphore_mem>>) src(%dma_wait3A_59 : memref<16x2048xf32, #tpu.memory_space<vmem>>) dst(%dma_wait3A_56 : memref<16x2048xf32, #tpu.memory_space<hbm>>)
    %dma_wait3A_60 = arith.constant 0 : i32
    %dma_wait3A_61 = arith.constant 0 : i32
    %dma_wait3A_62 = tpu.memref_slice %arg5[%dma_wait3A_60, %dma_wait3A_61] : memref<16x2944xf32, #tpu.memory_space<vmem>> -> memref<16x2048xf32, #tpu.memory_space<vmem>>
    %dma_wait3A_63 = arith.constant 0 : i32
    %dma_wait3A_64 = arith.constant 0 : i32
    %dma_wait3A_65 = tpu.memref_slice %arg3[%select_n3A, %dma_wait3A_63, %dma_wait3A_64] : memref<16x2048x2048xf32, #tpu.memory_space<hbm>> -> memref<1x16x2048xf32, #tpu.memory_space<hbm>>
    %dma_wait3A_66 = tpu.memref_squeeze %dma_wait3A_65 : memref<1x16x2048xf32, #tpu.memory_space<hbm>> -> memref<16x2048xf32, #tpu.memory_space<hbm>>
    %dma_wait3A_67 = arith.constant 0 : i32
    %dma_wait3A_68 = arith.constant 0 : i32
    %dma_wait3A_69 = tpu.memref_slice %arg3[%select_n3A, %dma_wait3A_67, %dma_wait3A_68] : memref<16x2048x2048xf32, #tpu.memory_space<hbm>> -> memref<1x16x2048xf32, #tpu.memory_space<hbm>>
    %dma_wait3A_70 = tpu.memref_squeeze %dma_wait3A_69 : memref<1x16x2048xf32, #tpu.memory_space<hbm>> -> memref<16x2048xf32, #tpu.memory_space<hbm>>
    %dma_wait3A_71 = arith.constant 0 : i32
    %dma_wait3A_72 = arith.constant 0 : i32
    %dma_wait3A_73 = tpu.memref_slice %arg5[%dma_wait3A_71, %dma_wait3A_72] : memref<16x2944xf32, #tpu.memory_space<vmem>> -> memref<16x2048xf32, #tpu.memory_space<vmem>>
    tpu.wait_dma2 semaphore(%arg11 : memref<!tpu.dma_semaphore, #tpu.memory_space<semaphore_mem>>) src(%dma_wait3A_73 : memref<16x2048xf32, #tpu.memory_space<vmem>>) dst(%dma_wait3A_70 : memref<16x2048xf32, #tpu.memory_space<hbm>>)
    %dma_wait3A_74 = arith.constant 0 : i32
    %dma_wait3A_75 = arith.constant 0 : i32
    %dma_wait3A_76 = tpu.memref_slice %arg5[%dma_wait3A_74, %dma_wait3A_75] : memref<16x2944xf32, #tpu.memory_space<vmem>> -> memref<16x2048xf32, #tpu.memory_space<vmem>>
    %dma_wait3A_77 = arith.constant 0 : i32
    %dma_wait3A_78 = arith.constant 0 : i32
    %dma_wait3A_79 = tpu.memref_slice %arg3[%select_n3A, %dma_wait3A_77, %dma_wait3A_78] : memref<16x2048x2048xf32, #tpu.memory_space<hbm>> -> memref<1x16x2048xf32, #tpu.memory_space<hbm>>
    %dma_wait3A_80 = tpu.memref_squeeze %dma_wait3A_79 : memref<1x16x2048xf32, #tpu.memory_space<hbm>> -> memref<16x2048xf32, #tpu.memory_space<hbm>>
    %dma_wait3A_81 = arith.constant 0 : i32
    %dma_wait3A_82 = arith.constant 0 : i32
    %dma_wait3A_83 = tpu.memref_slice %arg3[%select_n3A, %dma_wait3A_81, %dma_wait3A_82] : memref<16x2048x2048xf32, #tpu.memory_space<hbm>> -> memref<1x16x2048xf32, #tpu.memory_space<hbm>>
    %dma_wait3A_84 = tpu.memref_squeeze %dma_wait3A_83 : memref<1x16x2048xf32, #tpu.memory_space<hbm>> -> memref<16x2048xf32, #tpu.memory_space<hbm>>
    %dma_wait3A_85 = arith.constant 0 : i32
    %dma_wait3A_86 = arith.constant 0 : i32
    %dma_wait3A_87 = tpu.memref_slice %arg5[%dma_wait3A_85, %dma_wait3A_86] : memref<16x2944xf32, #tpu.memory_space<vmem>> -> memref<16x2048xf32, #tpu.memory_space<vmem>>
    tpu.wait_dma2 semaphore(%arg12 : memref<!tpu.dma_semaphore, #tpu.memory_space<semaphore_mem>>) src(%dma_wait3A_87 : memref<16x2048xf32, #tpu.memory_space<vmem>>) dst(%dma_wait3A_84 : memref<16x2048xf32, #tpu.memory_space<hbm>>)
    %dma_wait3A_88 = arith.constant 0 : i32
    %dma_wait3A_89 = arith.constant 0 : i32
    %dma_wait3A_90 = tpu.memref_slice %arg5[%dma_wait3A_88, %dma_wait3A_89] : memref<16x2944xf32, #tpu.memory_space<vmem>> -> memref<16x2048xf32, #tpu.memory_space<vmem>>
    %dma_wait3A_91 = arith.constant 0 : i32
    %dma_wait3A_92 = arith.constant 0 : i32
    %dma_wait3A_93 = tpu.memref_slice %arg3[%select_n3A, %dma_wait3A_91, %dma_wait3A_92] : memref<16x2048x2048xf32, #tpu.memory_space<hbm>> -> memref<1x16x2048xf32, #tpu.memory_space<hbm>>
    %dma_wait3A_94 = tpu.memref_squeeze %dma_wait3A_93 : memref<1x16x2048xf32, #tpu.memory_space<hbm>> -> memref<16x2048xf32, #tpu.memory_space<hbm>>
    %dma_wait3A_95 = arith.constant 0 : i32
    %dma_wait3A_96 = arith.constant 0 : i32
    %dma_wait3A_97 = tpu.memref_slice %arg3[%select_n3A, %dma_wait3A_95, %dma_wait3A_96] : memref<16x2048x2048xf32, #tpu.memory_space<hbm>> -> memref<1x16x2048xf32, #tpu.memory_space<hbm>>
    %dma_wait3A_98 = tpu.memref_squeeze %dma_wait3A_97 : memref<1x16x2048xf32, #tpu.memory_space<hbm>> -> memref<16x2048xf32, #tpu.memory_space<hbm>>
    %dma_wait3A_99 = arith.constant 0 : i32
    %dma_wait3A_100 = arith.constant 0 : i32
    %dma_wait3A_101 = tpu.memref_slice %arg5[%dma_wait3A_99, %dma_wait3A_100] : memref<16x2944xf32, #tpu.memory_space<vmem>> -> memref<16x2048xf32, #tpu.memory_space<vmem>>
    tpu.wait_dma2 semaphore(%arg13 : memref<!tpu.dma_semaphore, #tpu.memory_space<semaphore_mem>>) src(%dma_wait3A_101 : memref<16x2048xf32, #tpu.memory_space<vmem>>) dst(%dma_wait3A_98 : memref<16x2048xf32, #tpu.memory_space<hbm>>)
    return
  }
}

</mosaic_0001>

<sc_bundles>
// kernel: kernel.3.cloned.1.call-start
scs
__scs_entry_jumppad:
0x0: {  	(pc) =	sbr.rel $0x88, $3  }
0x1: {  	(tag) =	ssettag $0x0;
	lr =	simm.s32 $0x1  }
0x2: {  	[smem:$0x3FA0] =	sst lr;
	_ =	strace $0xD0000000  }
0x3: {  	_ = 	snop  }
0x4: {  	_ = 	snop  }
0x5: {  	_ = 	snop  }
0x6: {  	_ = 	snop  }
0x7: {  	_ = 	snop  }
__scs_overlays_trampoline_lowered:
0x8: {  	[smem:$0x3FAF] =	sst s0  }
0x9: {  	[smem:$0x3FB0] =	sst s1  }
0xa: {  	[smem:$0x3FB1] =	sst s2  }
0xb: {  	[smem:$0x3FB2] =	sst s3  }
0xc: {  	[smem:$0x3FB3] =	sst s4  }
0xd: {  	[smem:$0x3FB4] =	sst s5  }
0xe: {  	[smem:$0x3FB5] =	sst s6  }
0xf: {  	[smem:$0x3FB6] =	sst s7  }
0x10: {  	[smem:$0x3FB7] =	sst s8  }
0x11: {  	[smem:$0x3FB8] =	sst s9;
	s0 =	simm.s32 @!p0 $0x0  }
0x12: {  	s1 =	sld [smem:$0x3F9E];
	s0 =	simm.s32 @p0 $0x1  }
0x13: {  	[smem:$0x3FB9] =	sst s0;
	s0 =	simm.s32 @!p1 $0x0  }
0x14: {  	s2 =	sld [smem:$0x3F9D];
	s0 =	simm.s32 @p1 $0x1  }
0x15: {  	[smem:$0x3FBA] =	sst s0;
	s0 =	simm.s32 @!p2 $0x0  }
0x16: {  	s3 =	sld [smem:$0x3FDB];
	s0 =	simm.s32 @p2 $0x1  }
0x17: {  	s4 =	simm.s32 $0x1BF5;
	[smem:$0x3FBC] =	sst s0  }
0x18: {  	s0 =	sld [smem:$0x3F9F];
	_ =	swait.ge [sflag:s4], $0x0  }
0x19: {  	s7 =	sld [smem:$0x3FA0]  }
0x1a: {  	s8 =	sadd.s32 $0xFFFFE003, lr  }
0x1b: {  	s9 =	sadd.s32 $0xFFFFFEF7, lr;
	s5 =	simm.s32 $0xFFFFFFFF;
	p2 =	slt.u32 s8, $0xFFFFF086  }
0x1c: {  	p1 =	slt.u32 s9, $0xF7A;
	s5 =	simm.s32 @!p2 $0x0  }
0x1d: {  	s5 =	simm.s32 @p1 $0x1;
	p0 =	seq.s32 s7, s2  }
0x1e: {  	s7 =	smul.u32 @!p0 $0xF7A, s2;
	p2 =	seq.s32 @!p0 s5, $0x0  }
0x1f: {  	s9 =	smul.u32 $0xF7A, s1;
	s8 =	simm.s32 @!p0 $0x1BF5;
	p2 =	por !p2, p0  }
0x20: {  	[sflag:s8] =	ssyncset.s32 @!p0 $0xFFFFF086;
	s6 =	sadd.s32 @!p0 s3, s7;
	s7 =	simm.s32 @!p0 $0x108  }
0x21: {  	s3 =	sadd.s32 s3, s9;
	s6 =	sadd.s32 @!p0 $0x88, s6;
	s7 =	simm.s32 @p2 $0x1082  }
0x22: {  	[simem:s7], [sflag:s8] =	dma.local @!p0 [hbm:s6], $0xF7A  }
0x23: {  	s9 =	sor.u32 $0xD0000000, s2;
	s6 =	simm.s32 $0x108;
	_ =	swait.ge @!p0 [sflag:s8], $0x0  }
0x24: {  	s3 =	sadd.s32 $0x88, s3;
	s6 =	simm.s32 @!p1 $0x1082;
	[sflag:s4] =	ssyncset.s32 $0xFFFFF086  }
0x25: {  	[simem:s6], [sflag:s4] =	dma.local [hbm:s3], $0xF7A  }
0x26: {  	[smem:$0x3FA0] =	sst s1;
	(tag) =	ssettag s2;
	_ =	strace s9  }
0x27: {  	s1 =	sld [smem:$0x3FB0]  }
0x28: {  	s2 =	sld [smem:$0x3FB1]  }
0x29: {  	s4 =	sld [smem:$0x3FB3]  }
0x2a: {  	p0 =	seq.s32 s5, $0x0;
	s5 =	sld [smem:$0x3FB4]  }
0x2b: {  	s6 =	sld [smem:$0x3FB5]  }
0x2c: {  	s7 =	sld [smem:$0x3FB6]  }
0x2d: {  	s3 =	simm.s32 $0x108;
	s8 =	sld [smem:$0x3FB7]  }
0x2e: {  	s3 =	simm.s32 @!p0 $0x1082;
	s9 =	sld [smem:$0x3FB8]  }
0x2f: {  	lr =	sadd.s32 s0, s3;
	s0 =	sld [smem:$0x3FAF]  }
0x30: {  	s3 =	sld [smem:$0x3FB2]  }
0x31: {  	[smem:$0x3FBB] =	sst s10  }
0x32: {  	s10 =	sld [smem:$0x3FB9];
	_ =	sdelay $0x3  }
0x33: {  	p0 =	seq.s32 s10, $0x1;
	s10 =	sld [smem:$0x3FBB];
	_ =	sdelay $0x3  }
0x34: {  	[smem:$0x3FBB] =	sst s10  }
0x35: {  	s10 =	sld [smem:$0x3FBA];
	_ =	sdelay $0x3  }
0x36: {  	p1 =	seq.s32 s10, $0x1;
	s10 =	sld [smem:$0x3FBB];
	_ =	sdelay $0x3  }
0x37: {  	[smem:$0x3FBB] =	sst s10  }
0x38: {  	s10 =	sld [smem:$0x3FBC]  }
0x39: {  	_ = 	snop;
	(pc) =	sbr.ind lr, $3  }
0x3a: {  	_ = 	snop  }
0x3b: {  	_ = 	snop  }
0x3c: {  	p2 =	seq.s32 s10, $0x1;
	s10 =	sld [smem:$0x3FBB]  }
0x3d: {  	_ =	shalt  }
0x3e: {  	_ =	shalt  }
0x3f: {  	_ =	shalt  }
0x40: {  	_ =	shalt  }
0x41: {  	_ =	shalt  }
0x42: {  	_ =	shalt  }
0x43: {  	_ =	shalt  }
0x44: {  	_ =	shalt  }
0x45: {  	_ =	shalt  }
0x46: {  	_ =	shalt  }
0x47: {  	_ =	shalt  }
0x48: {  	_ =	shalt  }
0x49: {  	_ =	shalt  }
0x4a: {  	_ =	shalt  }
0x4b: {  	_ =	shalt  }
0x4c: {  	_ =	shalt  }
0x4d: {  	_ =	shalt  }
0x4e: {  	_ =	shalt  }
0x4f: {  	_ =	shalt  }
0x50: {  	_ =	shalt  }
0x51: {  	_ =	shalt  }
0x52: {  	_ =	shalt  }
0x53: {  	_ =	shalt  }
0x54: {  	_ =	shalt  }
0x55: {  	_ =	shalt  }
0x56: {  	_ =	shalt  }
0x57: {  	_ =	shalt  }
0x58: {  	_ =	shalt  }
0x59: {  	_ =	shalt  }
0x5a: {  	_ =	shalt  }
0x5b: {  	_ =	shalt  }
0x5c: {  	_ =	shalt  }
0x5d: {  	_ =	shalt  }
0x5e: {  	_ =	shalt  }
0x5f: {  	_ =	shalt  }
0x60: {  	_ =	shalt  }
0x61: {  	_ =	shalt  }
0x62: {  	_ =	shalt  }
0x63: {  	_ =	shalt  }
0x64: {  	_ =	shalt  }
0x65: {  	_ =	shalt  }
0x66: {  	_ =	shalt  }
0x67: {  	_ =	shalt  }
0x68: {  	_ =	shalt  }
0x69: {  	_ =	shalt  }
0x6a: {  	_ =	shalt  }
0x6b: {  	_ =	shalt  }
0x6c: {  	_ =	shalt  }
0x6d: {  	_ =	shalt  }
0x6e: {  	_ =	shalt  }
0x6f: {  	_ =	shalt  }
0x70: {  	_ =	shalt  }
0x71: {  	_ =	shalt  }
0x72: {  	_ =	shalt  }
0x73: {  	_ =	shalt  }
0x74: {  	_ =	shalt  }
0x75: {  	_ =	shalt  }
0x76: {  	_ =	shalt  }
0x77: {  	_ =	shalt  }
0x78: {  	_ =	shalt  }
0x79: {  	_ =	shalt  }
0x7a: {  	_ =	shalt  }
0x7b: {  	_ =	shalt  }
0x7c: {  	_ =	shalt  }
0x7d: {  	_ =	shalt  }
0x7e: {  	_ =	shalt  }
0x7f: {  	_ =	shalt  }
0x80: {  	_ =	shalt  }
0x81: {  	_ =	shalt  }
0x82: {  	_ =	shalt  }
0x83: {  	_ =	shalt  }
0x84: {  	_ =	shalt  }
0x85: {  	_ =	shalt  }
0x86: {  	_ =	shalt  }
0x87: {  	_ =	shalt  }
.Lfunc_end0:
.L_simem_size_0:
called_computation.1_lowered:
.L_overlay_start_0:
0x88: {  	s2 =	sld [smem:$0x3FD9]  }
0x89: {  	s3 =	sld [smem:$0x3FFE];
	_ =	sdelay $0x1  }
0x8a: {  	s1 =	srdreg.scid  }
0x8b: {  	s0 =	sand.u32 $0x1, s1  }
0x8c: {  	s17 =	sshll.u32 s0, $0xA;
	s2 =	sadd.s32 s3, s2  }
0x8d: {  	s2 =	sadd.s32 s2, s17  }
0x8e: {  	[smem:$0x3FC7] =	sst s2  }
0x8f: {  	_ = 	snop  }
0x90: {  	s2 =	sld [smem:$0x3FD0];
	(tm) =	ssettm $0x1  }
0x91: {  	s18 =	sld [smem:$0x3FFB];
	_ =	sdelay $0x3  }
0x92: {  	_ =	strace s18  }
0x93: {  	s3 =	sld [smem:$0x3FFC];
	_ =	sdelay $0x3  }
0x94: {  	_ =	strace s3  }
0x95: {  	s3 =	sld [smem:$0x3FFD];
	_ =	sdelay $0x3  }
0x96: {  	_ =	strace s3  }
0x97: {  	_ =	strace $0x8FFFFFFF  }
0x98: {  	s19 =	sld [smem:$0x3FDB];
	_ =	sdelay $0x1  }
0x99: {  	s4 =	simm.s32 $_scs_section_size  }
0x9a: {  	s5 =	simm.s32 $_size__tile_overlayer_lowered;
	s6 =	simm.s32 $_tile_overlayer_lowered  }
0x9b: {  	s22 =	simm.s32 $0x1BFF;
	s21 =	sshll.u32 s6, $0x1;
	s3 =	sadd.s32 s4, s19  }
0x9c: {  	s7 =	simm.s32 $0x0;
	s20 =	sshll.u32 s5, $0x1;
	s5 =	sadd.s32 s21, s3  }
0x9d: {  	[timem:s7], [sflag:s22] =	dma.local [hbm:s5], s20  }
0x9e: {  	_ =	swait.ge [sflag:s22], s20  }
0x9f: {  	s4 =	ssub.s32 $0x0, s20;
	[sflag:s22] =	ssyncset.done $0x0  }
0xa0: {  	[sflag:s22] =	ssyncadd.s32 s4;
	_ =	sdelay $0x1  }
0xa1: {  	s23 =	simm.s32 $0x1B8B  }
0xa2: {  	_ =	swait.ge [sflag:s23], $0x1  }
0xa3: {  	[sflag:s23] =	ssyncset.done $0x0  }
0xa4: {  	s25 =	simm.s32 $0x1B8E;
	s24 =	sld [smem:$0x3FFE];
	[sflag:s23] =	ssyncadd.s32 $0xFFFFFFFF  }
0xa5: {  	s26 =	simm.s32 $execute0_lowered;
	[smem:$0x3FD2] =	sst s25  }
0xa6: {  	s5 =	sshll.u32 s26, $0x1;
	_ =	strace $0x80000049;
	[dreg:$0x1] =	wrdreg $0xFFFFFFFF  }
0xa7: {  	s28 =	simm.s32 $_size_execute0_lowered;
	s3 =	sadd.s32 s3, s5;
	[dreg:$0x0] =	wrdreg $0x0  }
0xa8: {  	s5 =	sshll.u32 s28, $0x1;
	[dreg:$0x2] =	wrdreg s3  }
0xa9: {  	[dreg:$0x3] =	wrdreg s5  }
0xaa: {  	[dreg:$0x4] =	wrdreg $0xC0  }
0xab: {  	_ =	task [dreg:s7], $0x5FFFF  }
0xac: {  	[dreg:$0x1] =	wrdreg $0xFFFFFFFF  }
0xad: {  	[dreg:$0x0] =	wrdreg $0x60  }
0xae: {  	[dreg:$0x2] =	wrdreg s24  }
0xaf: {  	[dreg:$0x3] =	wrdreg s2  }
0xb0: {  	[dreg:$0x4] =	wrdreg $0x9  }
0xb1: {  	_ =	task.clear_ibuf [dreg:s7], $0x5FFFF;
	_ =	strace $0x90000049  }
0xb2: {  	s29 =	simm.s32 $0x9;
	_ =	strace $0x8000004B  }
0xb3: {  	_ =	swait.ge [sflag:s29], $0x1  }
0xb4: {  	[sflag:s29] =	ssyncadd.s32 $0xFFFFFFFF  }
0xb5: {  	_ =	strace $0x9000004B  }
0xb6: {  	_ =	sfence  }
0xb7: {  	s30 =	sld [smem:$0x0];
	_ =	sdelay $0x2  }
0xb8: {  	s31 =	sshll.u32 s1, $0xD;
	s1 =	sshrl.u32 s1, $0x2  }
0xb9: {  	s3 =	sand.u32 $0x4000, s31;
	s1 =	sadd.s32 s1, s30  }
0xba: {  	s0 =	sor.u32 s3, s0;
	s1 =	sshll.u32 s1, $0x11  }
0xbb: {  	s0 =	sor.u32 s1, s0  }
0xbc: {  	s0 =	sadd.s32 $0x8F2B, s0  }
0xbd: {  	[sflag:s0] =	ssyncadd.remote.s32 $0x1  }
0xbe: {  	_ =	sfence.sel $0xFFFF  }
0xbf: {  	[dreg:$0x0] =	wrdreg $0xFFFFFFFF;
	(pc) =	sbr.abs _section_cstart, $3  }
0xc0: {  	[dreg:$0x1] =	wrdreg $0xFFFFFFFF  }
0xc1: {  	_ =	task.clear_ibuf [dreg:s7], $0x2FFFF;
	_ =	strace $0x9FFFFFFF  }
0xc2: {  	(tm) =	ssettm $0x7FFFFFFF  }
0xc3: {  	_ =	shalt  }
tec
execute0_lowered:
.L_overlay_start_1:
0x0: {  	(tag) =	ssettag $0x1  }
0x1: {  	s1 =	srdreg.scid;
	s5 =	rddreg [dreg:$0x0]  }
0x2: {  	s0 =	stileid.u32;
	s2 =	rddreg [dreg:$0x1];
	s3 =	simm.s32 $0x0  }
0x3: {  	s30 =	simm.s32 $0x1C00;
	s11 =	simm.s32 $0x1800;
	s12 =	simm.s32 $0x7400  }
0x4: {  	s13 =	simm.s32 $0x1400;
	s6 =	sand.u32 $0x1, s1;
	[smem:$0x7FF] =	sst s3  }
0x5: {  	s1 =	sor.u32 s6, s0;
	_ =	strace $0x8000004A;
	[dreg:$0xc] =	wrdreg s30  }
0x6: {  	p1 =	seq.s32 s6, $0x1;
	s8 =	sshll.u32 s6, $0x15;
	[dreg:$0xe] =	wrdreg s11  }
0x7: {  	s31 =	ssub.s32 $0x2, s6;
	[dreg:$0xf] =	wrdreg s12;
	p0 =	seq.s32 s1, $0x0  }
0x8: {  	[dreg:$0x10] =	wrdreg s13;
	s6 =	sshll.u32 s6, $0xD;
	p0 =	por !p0, !p1  }
0x9: {  	s12 =	simm.s32 $0x6000;
	s1 =	simm.s32 $0x1;
	p0 =	por !p0, !p0  }
0xa: {  	s30 =	simm.s32 $0x12C00;
	[dreg:$0x19] =	wrdreg s12;
	s1 =	simm.s32 @!p0 $0x0  }
0xb: {  	s13 =	simm.s32 $0x12800;
	[dreg:$0x1d] =	wrdreg s30;
	s7 =	ssub.s32 s0, s1  }
0xc: {  	[dreg:$0x1f] =	wrdreg s13;
	s0 =	simm.s32 $0x7800;
	s4 =	sshll.u32 s7, $0x16  }
0xd: {  	s12 =	simm.s32 $0x9;
	[dreg:$0xd] =	wrdreg s0;
	s4 =	sor.u32 s8, s4  }
0xe: {  	s8 =	sor.u32 $0x1C0000, s4;
	s9 =	sor.u32 $0x180000, s4;
	s10 =	sor.u32 $0x140000, s4  }
0xf: {  	s17 =	sor.u32 $0x100000, s4;
	s19 =	sor.u32 $0xC0000, s4;
	s26 =	sshrl.u32 s4, $0x3  }
0x10: {  	s20 =	sor.u32 $0x80000, s4;
	s24 =	sor.u32 $0x40000, s4;
	s28 =	sadd.s32 s26, s2  }
0x11: {  	s18 =	sshrl.u32 s17, $0x3;
	s17 =	simm.s32 $0xC00;
	[dreg:$0xa] =	wrdreg s28  }
0x12: {  	s22 =	sshrl.u32 s20, $0x3;
	s20 =	simm.s32 $0x800;
	[dreg:$0x14] =	wrdreg s17  }
0x13: {  	s25 =	sshrl.u32 s24, $0x3;
	s24 =	simm.s32 $0x400;
	[dreg:$0x16] =	wrdreg s20  }
0x14: {  	s8 =	sshrl.u32 s8, $0x3;
	s26 =	simm.s32 $0xD400;
	[dreg:$0x18] =	wrdreg s24  }
0x15: {  	s9 =	sshrl.u32 s9, $0x3;
	s8 =	sadd.s32 s8, s2;
	[dreg:$0x1a] =	wrdreg s26  }
0x16: {  	s15 =	sshrl.u32 s10, $0x3;
	s14 =	sadd.s32 s9, s2;
	[dreg:$0x3] =	wrdreg s8  }
0x17: {  	s4 =	sor.u32 $0x8000, s4;
	s16 =	sadd.s32 s15, s2;
	[dreg:$0x4] =	wrdreg s14  }
0x18: {  	s4 =	sshrl.u32 s4, $0x3;
	s23 =	sadd.s32 s22, s2;
	[dreg:$0x5] =	wrdreg s16  }
0x19: {  	s13 =	simm.s32 $0xB800;
	s29 =	sadd.s32 s4, s2;
	[dreg:$0x8] =	wrdreg s23  }
0x1a: {  	s7 =	smul.u32 $0x10800, s7;
	s15 =	simm.s32 $0x1000;
	[dreg:$0xb] =	wrdreg s29  }
0x1b: {  	s1 =	sshrl.u32 s31, $0x1;
	s22 =	simm.s32 $0x6400;
	[dreg:$0x12] =	wrdreg s15  }
0x1c: {  	s11 =	ssub.s32 s7, s6;
	s28 =	simm.s32 $0x13000;
	[dreg:$0x17] =	wrdreg s22  }
0x1d: {  	s7 =	sadd.s32 $0x2400, s11;
	s17 =	simm.s32 $0x12000;
	[dreg:$0x1b] =	wrdreg s28  }
0x1e: {  	s9 =	sshrl.u32 s19, $0x3;
	s20 =	simm.s32 $0xBC00;
	[smem:$0x7F8] =	sst s17  }
0x1f: {  	s7 =	sshrl.u32 s7, $0x3;
	s8 =	sadd.s32 s18, s2;
	[smem:$0x7FB] =	sst s20  }
0x20: {  	s21 =	sadd.s32 s9, s2;
	s9 =	sadd.s32 $0x1C00, s5;
	[dreg:$0x6] =	wrdreg s8  }
0x21: {  	s5 =	simm.s32 $0x1;
	s14 =	simm.s32 $0x7000;
	[dreg:$0x7] =	wrdreg s21  }
0x22: {  	s16 =	simm.s32 $0x6C00;
	s18 =	simm.s32 $0x6800;
	[dreg:$0x11] =	wrdreg s14  }
0x23: {  	s23 =	sadd.s32 $0x212400, s11;
	s11 =	sadd.s32 $0x10A400, s11;
	[dreg:$0x13] =	wrdreg s16  }
0x24: {  	s29 =	simm.s32 $0xD000;
	s15 =	simm.s32 $0x12400;
	[dreg:$0x15] =	wrdreg s18  }
0x25: {  	s17 =	simm.s32 $0xA;
	s20 =	simm.s32 $0x7;
	[dreg:$0x1c] =	wrdreg s29  }
0x26: {  	s22 =	simm.s32 $0x11400;
	s8 =	sadd.s32 s25, s2;
	[smem:$0x7F6] =	sst s15  }
0x27: {  	s19 =	sadd.s32 s9, s7;
	s10 =	sshrl.u32 s23, $0x3;
	[smem:$0x7FD] =	sst s22  }
0x28: {  	s11 =	sshrl.u32 s11, $0x3;
	s14 =	simm.s32 $0xC800;
	[dreg:$0x9] =	wrdreg s8  }
0x29: {  	s16 =	simm.s32 $0xC400;
	s15 =	simm.s32 $0x3;
	[smem:$0x7F2] =	sst s19  }
0x2a: {  	s18 =	simm.s32 $0xC000;
	s22 =	simm.s32 $0x0;
	[smem:$0x7F5] =	sst s14  }
0x2b: {  	s8 =	ssub.s32 s31, s1;
	s25 =	sadd.s32 s10, s9;
	[smem:$0x7F7] =	sst s16  }
0x2c: {  	s9 =	sadd.s32 s11, s9;
	s10 =	simm.s32 $0x5C00;
	[smem:$0x7F9] =	sst s18  }
0x2d: {  	s31 =	simm.s32 $0xCC00;
	s11 =	simm.s32 $0x8400;
	[smem:$0x7F4] =	sst s25  }
0x2e: {  	s14 =	simm.s32 $0x2;
	s19 =	simm.s32 $0x11C00;
	[dreg:$0x1e] =	wrdreg s31  }
0x2f: {  	s16 =	simm.s32 $0x4;
	s21 =	smax.u32 s8, $0x1;
	[smem:$0x7FA] =	sst s19  }
0x30: {  	s18 =	simm.s32 $0x5;
	[smem:$0x7F3] =	sst s21;
	s21 =	simm.s32 $0x11800  }
0x31: {  	s19 =	simm.s32 $0x6;
	[smem:$0x7FC] =	sst s21;
	s21 =	simm.s32 $0x8  }
.LBB2_1:
0x32: {  	s0 =	sld [smem:$0x7F2];
	_ =	sdelay $0x2  }
0x33: {  	[tilespmem:s3], [sflag:$0x9] =	stream.strided.gather [hbm4b:s0+s10], $0xB800, s11, s10, $0x38;
	[tilespmem:$0x17000] =	vst v63  }
0x34: {  	_ =	swait.ge [sflag:s12], $0xB800  }
0x35: {  	s23 =	rddreg [dreg:$0x9]  }
0x36: {  	s24 =	rddreg [dreg:$0xc]  }
0x37: {  	s25 =	rddreg [dreg:$0xa]  }
0x38: {  	s26 =	rddreg [dreg:$0x7];
	[sflag:s12] =	ssyncset.done $0x0  }
0x39: {  	s28 =	rddreg [dreg:$0xe];
	[sflag:s12] =	ssyncadd.s32 $0xFFFF4800;
	s25 =	sadd.s32 $0x0, s25  }
0x3a: {  	[hbm4b:s25+s3] =	stream.linear.scatter [tilespmem:s24], [sflag:$0x1], $0x4000, $0x38;
	[tilespmem:$0x17000] =	vst v63  }
0x3b: {  	s29 =	rddreg [dreg:$0xd];
	s25 =	sadd.s32 $0x800, s25  }
0x3c: {  	[hbm4b:s25+s3] =	stream.linear.scatter [tilespmem:s29], [sflag:$0x1], $0x4000, $0x38;
	[tilespmem:$0x17000] =	vst v63  }
0x3d: {  	s0 =	rddreg [dreg:$0xf];
	s23 =	sadd.s32 $0x0, s23  }
0x3e: {  	[hbm4b:s23+s3] =	stream.linear.scatter [tilespmem:s28], [sflag:$0x2], $0x4000, $0x38;
	[tilespmem:$0x17000] =	vst v63  }
0x3f: {  	s1 =	rddreg [dreg:$0x8];
	s23 =	sadd.s32 $0x800, s23  }
0x40: {  	[hbm4b:s23+s3] =	stream.linear.scatter [tilespmem:s0], [sflag:$0x2], $0x4000, $0x38;
	[tilespmem:$0x17000] =	vst v63  }
0x41: {  	s7 =	sadd.s32 $0x0, s1;
	s28 =	rddreg [dreg:$0x10]  }
0x42: {  	[hbm4b:s7+s3] =	stream.linear.scatter [tilespmem:s28], [sflag:$0x3], $0x4000, $0x38;
	[tilespmem:$0x17000] =	vst v63  }
0x43: {  	s6 =	rddreg [dreg:$0x11];
	s24 =	sadd.s32 $0x800, s7  }
0x44: {  	[hbm4b:s24+s3] =	stream.linear.scatter [tilespmem:s6], [sflag:$0x3], $0x4000, $0x38;
	[tilespmem:$0x17000] =	vst v63  }
0x45: {  	p0 =	por $0x1, $0x1;
	s8 =	rddreg [dreg:$0x12];
	s1 =	sadd.s32 $0x0, s26  }
0x46: {  	[hbm4b:s1+s3] =	stream.linear.scatter [tilespmem:s8], [sflag:$0x4], $0x4000, $0x38;
	[tilespmem:$0x17000] =	vst v63  }
0x47: {  	s25 =	simm.s32 @!p0 $0x5;
	s0 =	rddreg [dreg:$0x13];
	s24 =	sadd.s32 $0x800, s1  }
0x48: {  	[hbm4b:s24+s3] =	stream.linear.scatter [tilespmem:s0], [sflag:$0x4], $0x4000, $0x38;
	[tilespmem:$0x17000] =	vst v63  }
0x49: {  	_ =	swait.ge @!p0 [sflag:s25], $0x8000  }
0x4a: {  	[sflag:s25] =	ssyncset.done @!p0 $0x0  }
0x4b: {  	s23 =	simm.s32 @!p0 $0x6;
	[sflag:s25] =	ssyncadd.s32 @!p0 $0xFFFF8000  }
0x4c: {  	_ =	swait.ge @!p0 [sflag:s23], $0x8000  }
0x4d: {  	[sflag:s23] =	ssyncset.done @!p0 $0x0  }
0x4e: {  	s24 =	simm.s32 @!p0 $0x7;
	[sflag:s23] =	ssyncadd.s32 @!p0 $0xFFFF8000  }
0x4f: {  	_ =	swait.ge @!p0 [sflag:s24], $0x8000  }
0x50: {  	[sflag:s24] =	ssyncset.done @!p0 $0x0  }
0x51: {  	s23 =	simm.s32 @!p0 $0x8;
	[sflag:s24] =	ssyncadd.s32 @!p0 $0xFFFF8000  }
0x52: {  	_ =	swait.ge @!p0 [sflag:s23], $0x8000  }
0x53: {  	[sflag:s23] =	ssyncset.done @!p0 $0x0  }
0x54: {  	[sflag:s23] =	ssyncadd.s32 @!p0 $0xFFFF8000  }
0x55: {  	[tilespmem:s13], [sflag:$0xA] =	stream.strided.gather [hbm4b:s9+s10], $0xB800, s11, s10, $0x38;
	[tilespmem:$0x17000] =	vst v63  }
0x56: {  	_ =	swait.ge [sflag:s5], $0x8000  }
0x57: {  	s6 =	rddreg [dreg:$0x6];
	[sflag:s5] =	ssyncset.done $0x0  }
0x58: {  	s7 =	rddreg [dreg:$0x14];
	[sflag:s5] =	ssyncadd.s32 $0xFFFF8000;
	s23 =	sadd.s32 $0x0, s6  }
0x59: {  	[hbm4b:s23+s3] =	stream.linear.scatter [tilespmem:s7], [sflag:$0x1], $0x4000, $0x38;
	[tilespmem:$0x17000] =	vst v63  }
0x5a: {  	s8 =	rddreg [dreg:$0x15];
	s23 =	sadd.s32 $0x800, s23  }
0x5b: {  	[hbm4b:s23+s3] =	stream.linear.scatter [tilespmem:s8], [sflag:$0x1], $0x4000, $0x38;
	[tilespmem:$0x17000] =	vst v63  }
0x5c: {  	_ =	swait.ge [sflag:s14], $0x8000  }
0x5d: {  	s26 =	rddreg [dreg:$0x5];
	[sflag:s14] =	ssyncset.done $0x0  }
0x5e: {  	s0 =	rddreg [dreg:$0x16];
	[sflag:s14] =	ssyncadd.s32 $0xFFFF8000;
	s23 =	sadd.s32 $0x0, s26  }
0x5f: {  	[hbm4b:s23+s3] =	stream.linear.scatter [tilespmem:s0], [sflag:$0x2], $0x4000, $0x38;
	[tilespmem:$0x17000] =	vst v63  }
0x60: {  	s1 =	rddreg [dreg:$0x17];
	s23 =	sadd.s32 $0x800, s23  }
0x61: {  	[hbm4b:s23+s3] =	stream.linear.scatter [tilespmem:s1], [sflag:$0x2], $0x4000, $0x38;
	[tilespmem:$0x17000] =	vst v63  }
0x62: {  	_ =	swait.ge [sflag:s15], $0x8000  }
0x63: {  	s6 =	rddreg [dreg:$0x4];
	[sflag:s15] =	ssyncset.done $0x0  }
0x64: {  	s7 =	rddreg [dreg:$0x18];
	[sflag:s15] =	ssyncadd.s32 $0xFFFF8000;
	s23 =	sadd.s32 $0x0, s6  }
0x65: {  	[hbm4b:s23+s3] =	stream.linear.scatter [tilespmem:s7], [sflag:$0x3], $0x4000, $0x38;
	[tilespmem:$0x17000] =	vst v63  }
0x66: {  	s8 =	rddreg [dreg:$0x19];
	s23 =	sadd.s32 $0x800, s23  }
0x67: {  	[hbm4b:s23+s3] =	stream.linear.scatter [tilespmem:s8], [sflag:$0x3], $0x4000, $0x38;
	[tilespmem:$0x17000] =	vst v63  }
0x68: {  	_ =	swait.ge [sflag:s16], $0x8000  }
0x69: {  	s26 =	rddreg [dreg:$0x3];
	[sflag:s16] =	ssyncset.done $0x0  }
0x6a: {  	[sflag:s16] =	ssyncadd.s32 $0xFFFF8000;
	s23 =	sadd.s32 $0x0, s26  }
0x6b: {  	[hbm4b:s23+s3] =	stream.linear.scatter [tilespmem:s3], [sflag:$0x4], $0x4000, $0x38;
	[tilespmem:$0x17000] =	vst v63  }
0x6c: {  	s23 =	sadd.s32 $0x800, s23  }
0x6d: {  	[hbm4b:s23+s3] =	stream.linear.scatter [tilespmem:s10], [sflag:$0x4], $0x4000, $0x38;
	[tilespmem:$0x17000] =	vst v63  }
0x6e: {  	_ =	swait.ge [sflag:s17], $0xB800  }
0x6f: {  	s0 =	rddreg [dreg:$0xb]  }
0x70: {  	s28 =	sadd.s32 $0x0, s4;
	s1 =	rddreg [dreg:$0x1a];
	[sflag:s17] =	ssyncset.done $0x0  }
0x71: {  	s6 =	rddreg [dreg:$0x1b];
	[sflag:s17] =	ssyncadd.s32 $0xFFFF4800;
	s23 =	sadd.s32 $0x0, s0  }
0x72: {  	[hbm4b:s23+s3] =	stream.linear.scatter [tilespmem:s1], [sflag:$0x5], $0x4000, $0x38;
	[tilespmem:$0x17000] =	vst v63  }
0x73: {  	s7 =	sor.u32 $0x8000, s28;
	s8 =	rddreg [dreg:$0x1c];
	s23 =	sadd.s32 $0x800, s23  }
0x74: {  	[hbm4b:s23+s3] =	stream.linear.scatter [tilespmem:s6], [sflag:$0x5], $0x4000, $0x38;
	[tilespmem:$0x17000] =	vst v63  }
0x75: {  	s24 =	sadd.s32 s2, s7;
	s25 =	rddreg [dreg:$0x1d]  }
0x76: {  	[hbm4b:s24+s3] =	stream.linear.scatter [tilespmem:s8], [sflag:$0x6], $0x4000, $0x38;
	[tilespmem:$0x17000] =	vst v63  }
0x77: {  	s26 =	sor.u32 $0x10000, s28;
	s0 =	rddreg [dreg:$0x1e];
	s23 =	sadd.s32 $0x800, s24  }
0x78: {  	[hbm4b:s23+s3] =	stream.linear.scatter [tilespmem:s25], [sflag:$0x6], $0x4000, $0x38;
	[tilespmem:$0x17000] =	vst v63  }
0x79: {  	s1 =	sadd.s32 s2, s26;
	s6 =	rddreg [dreg:$0x1f]  }
0x7a: {  	[hbm4b:s1+s3] =	stream.linear.scatter [tilespmem:s0], [sflag:$0x7], $0x4000, $0x38;
	[tilespmem:$0x17000] =	vst v63  }
0x7b: {  	s7 =	sor.u32 $0x18000, s28;
	s8 =	sld [smem:$0x7F5];
	s23 =	sadd.s32 $0x800, s1  }
0x7c: {  	[hbm4b:s23+s3] =	stream.linear.scatter [tilespmem:s6], [sflag:$0x7], $0x4000, $0x38;
	[tilespmem:$0x17000] =	vst v63  }
0x7d: {  	s0 =	sadd.s32 s2, s7;
	s1 =	sld [smem:$0x7F6]  }
0x7e: {  	[hbm4b:s0+s3] =	stream.linear.scatter [tilespmem:s8], [sflag:$0x8], $0x4000, $0x38;
	[tilespmem:$0x17000] =	vst v63  }
0x7f: {  	s23 =	sadd.s32 $0x800, s0  }
0x80: {  	[hbm4b:s23+s3] =	stream.linear.scatter [tilespmem:s1], [sflag:$0x8], $0x4000, $0x38;
	[tilespmem:$0x17000] =	vst v63  }
0x81: {  	_ =	swait.ge [sflag:s5], $0x8000  }
0x82: {  	[sflag:s5] =	ssyncset.done $0x0  }
0x83: {  	[sflag:s5] =	ssyncadd.s32 $0xFFFF8000  }
0x84: {  	_ =	swait.ge [sflag:s14], $0x8000  }
0x85: {  	[sflag:s14] =	ssyncset.done $0x0  }
0x86: {  	[sflag:s14] =	ssyncadd.s32 $0xFFFF8000  }
0x87: {  	_ =	swait.ge [sflag:s15], $0x8000  }
0x88: {  	[sflag:s15] =	ssyncset.done $0x0  }
0x89: {  	[sflag:s15] =	ssyncadd.s32 $0xFFFF8000  }
0x8a: {  	_ =	swait.ge [sflag:s16], $0x8000  }
0x8b: {  	p0 =	por $0x0, $0x0;
	s0 =	sld [smem:$0x7F4]  }
0x8c: {  	s24 =	simm.s32 @!p0 $0x8400;
	[sflag:s16] =	ssyncset.done $0x0  }
0x8d: {  	s25 =	simm.s32 @!p0 $0x0;
	s23 =	simm.s32 @!p0 $0x5C00;
	[sflag:s16] =	ssyncadd.s32 $0xFFFF8000  }
0x8e: {  	[tilespmem:s25], [sflag:$0x9] =	stream.strided.gather @!p0 [hbm4b:s0+s23], $0xB800, s24, s23, $0x38;
	[tilespmem:$0x17000] =	vst v63  }
0x8f: {  	_ =	swait.ge [sflag:s18], $0x8000  }
0x90: {  	s6 =	sld [smem:$0x7F7]  }
0x91: {  	s7 =	sor.u32 $0x20000, s28;
	[sflag:s18] =	ssyncset.done $0x0  }
0x92: {  	s24 =	sadd.s32 s2, s7;
	s8 =	sld [smem:$0x7F8];
	[sflag:s18] =	ssyncadd.s32 $0xFFFF8000  }
0x93: {  	[hbm4b:s24+s3] =	stream.linear.scatter [tilespmem:s6], [sflag:$0x5], $0x4000, $0x38;
	[tilespmem:$0x17000] =	vst v63  }
0x94: {  	s30 =	sor.u32 $0x28000, s28;
	s29 =	sor.u32 $0x38000, s28;
	s26 =	sadd.s32 $0x800, s24  }
0x95: {  	[hbm4b:s26+s3] =	stream.linear.scatter [tilespmem:s8], [sflag:$0x5], $0x4000, $0x38;
	[tilespmem:$0x17000] =	vst v63  }
0x96: {  	s23 =	simm.s32 $0x2000;
	s25 =	smov.u32 s9;
	_ =	swait.ge [sflag:s19], $0x8000  }
0x97: {  	s24 =	smov.u32 s0;
	[sflag:s19] =	ssyncset.done $0x0;
	s31 =	sld [smem:$0x7F9]  }
.LBB2_2:
0x98: {  	_ = 	snop  }
0x99: {  	[sflag:s19] =	ssyncadd.s32 $0xFFFF8000;
	s30 =	sadd.s32 s2, s30;
	s1 =	sld [smem:$0x7FA]  }
0x9a: {  	[hbm4b:s30+s3] =	stream.linear.scatter [tilespmem:s31], [sflag:$0x6], $0x4000, $0x38;
	[tilespmem:$0x17000] =	vst v63  }
0x9b: {  	s30 =	sadd.s32 $0x800, s30  }
0x9c: {  	[hbm4b:s30+s3] =	stream.linear.scatter [tilespmem:s1], [sflag:$0x6], $0x4000, $0x38;
	[tilespmem:$0x17000] =	vst v63  }
0x9d: {  	_ =	swait.ge [sflag:s20], $0x8000  }
0x9e: {  	s6 =	sor.u32 $0x30000, s28;
	s28 =	sld [smem:$0x7FB]  }
0x9f: {  	[sflag:s20] =	ssyncset.done $0x0  }
0xa0: {  	s1 =	sadd.s32 s2, s6;
	s30 =	sld [smem:$0x7FC];
	[sflag:s20] =	ssyncadd.s32 $0xFFFF8000  }
0xa1: {  	[hbm4b:s1+s3] =	stream.linear.scatter [tilespmem:s28], [sflag:$0x7], $0x4000, $0x38;
	[tilespmem:$0x17000] =	vst v63  }
0xa2: {  	s1 =	sadd.s32 $0x800, s1  }
0xa3: {  	[hbm4b:s1+s3] =	stream.linear.scatter [tilespmem:s30], [sflag:$0x7], $0x4000, $0x38;
	[tilespmem:$0x17000] =	vst v63  }
0xa4: {  	_ =	swait.ge [sflag:s21], $0x8000  }
0xa5: {  	[sflag:s21] =	ssyncset.done $0x0  }
0xa6: {  	s7 =	sadd.s32 s2, s29;
	s28 =	sld [smem:$0x7FD];
	[sflag:s21] =	ssyncadd.s32 $0xFFFF8000  }
0xa7: {  	[hbm4b:s7+s3] =	stream.linear.scatter [tilespmem:s13], [sflag:$0x8], $0x4000, $0x38;
	[tilespmem:$0x17000] =	vst v63  }
0xa8: {  	s1 =	sadd.s32 $0x800, s7  }
0xa9: {  	[hbm4b:s1+s3] =	stream.linear.scatter [tilespmem:s28], [sflag:$0x8], $0x4000, $0x38;
	[tilespmem:$0x17000] =	vst v63  }
0xaa: {  	_ =	swait.ge [sflag:s12], $0xB800  }
0xab: {  	s8 =	rddreg [dreg:$0x9]  }
0xac: {  	s28 =	rddreg [dreg:$0xc]  }
0xad: {  	s29 =	rddreg [dreg:$0xa]  }
0xae: {  	s26 =	smov.u32 s23;
	[sflag:s12] =	ssyncset.done $0x0;
	s30 =	rddreg [dreg:$0x7]  }
0xaf: {  	s31 =	rddreg [dreg:$0xe];
	[sflag:s12] =	ssyncadd.s32 $0xFFFF4800;
	s29 =	sadd.s32 s26, s29  }
0xb0: {  	[hbm4b:s29+s3] =	stream.linear.scatter [tilespmem:s28], [sflag:$0x1], $0x4000, $0x38;
	[tilespmem:$0x17000] =	vst v63  }
0xb1: {  	s0 =	rddreg [dreg:$0xd];
	s28 =	sadd.s32 $0x800, s29  }
0xb2: {  	[hbm4b:s28+s3] =	stream.linear.scatter [tilespmem:s0], [sflag:$0x1], $0x4000, $0x38;
	[tilespmem:$0x17000] =	vst v63  }
0xb3: {  	s6 =	rddreg [dreg:$0xf];
	s1 =	sadd.s32 s26, s8  }
0xb4: {  	[hbm4b:s1+s3] =	stream.linear.scatter [tilespmem:s31], [sflag:$0x2], $0x4000, $0x38;
	[tilespmem:$0x17000] =	vst v63  }
0xb5: {  	s29 =	rddreg [dreg:$0x8];
	s0 =	sadd.s32 $0x800, s1  }
0xb6: {  	[hbm4b:s0+s3] =	stream.linear.scatter [tilespmem:s6], [sflag:$0x2], $0x4000, $0x38;
	[tilespmem:$0x17000] =	vst v63  }
0xb7: {  	s7 =	rddreg [dreg:$0x10];
	s8 =	sadd.s32 s26, s29  }
0xb8: {  	[hbm4b:s8+s3] =	stream.linear.scatter [tilespmem:s7], [sflag:$0x3], $0x4000, $0x38;
	[tilespmem:$0x17000] =	vst v63  }
0xb9: {  	s28 =	rddreg [dreg:$0x11];
	s0 =	sadd.s32 $0x800, s8  }
0xba: {  	[hbm4b:s0+s3] =	stream.linear.scatter [tilespmem:s28], [sflag:$0x3], $0x4000, $0x38;
	[tilespmem:$0x17000] =	vst v63  }
0xbb: {  	p1 =	seq.s32 s26, $0x0;
	s6 =	rddreg [dreg:$0x12];
	s8 =	sadd.s32 s26, s30  }
0xbc: {  	[hbm4b:s8+s3] =	stream.linear.scatter [tilespmem:s6], [sflag:$0x4], $0x4000, $0x38;
	[tilespmem:$0x17000] =	vst v63  }
0xbd: {  	s7 =	rddreg [dreg:$0x13];
	s0 =	sadd.s32 $0x800, s8;
	s6 =	simm.s32 @!p1 $0x5  }
0xbe: {  	[hbm4b:s0+s3] =	stream.linear.scatter [tilespmem:s7], [sflag:$0x4], $0x4000, $0x38;
	[tilespmem:$0x17000] =	vst v63  }
0xbf: {  	_ =	swait.ge @!p1 [sflag:s6], $0x8000  }
0xc0: {  	[sflag:s6] =	ssyncset.done @!p1 $0x0  }
0xc1: {  	s0 =	simm.s32 @!p1 $0x6;
	[sflag:s6] =	ssyncadd.s32 @!p1 $0xFFFF8000  }
0xc2: {  	_ =	swait.ge @!p1 [sflag:s0], $0x8000  }
0xc3: {  	[sflag:s0] =	ssyncset.done @!p1 $0x0  }
0xc4: {  	s1 =	simm.s32 @!p1 $0x7;
	[sflag:s0] =	ssyncadd.s32 @!p1 $0xFFFF8000  }
0xc5: {  	_ =	swait.ge @!p1 [sflag:s1], $0x8000  }
0xc6: {  	[sflag:s1] =	ssyncset.done @!p1 $0x0  }
0xc7: {  	s0 =	simm.s32 @!p1 $0x8;
	[sflag:s1] =	ssyncadd.s32 @!p1 $0xFFFF8000  }
0xc8: {  	_ =	swait.ge @!p1 [sflag:s0], $0x8000  }
0xc9: {  	[sflag:s0] =	ssyncset.done @!p1 $0x0  }
0xca: {  	s25 =	sadd.s32 $0x42000, s25;
	[sflag:s0] =	ssyncadd.s32 @!p1 $0xFFFF8000  }
0xcb: {  	[tilespmem:s13], [sflag:$0xA] =	stream.strided.gather [hbm4b:s25+s10], $0xB800, s11, s10, $0x38;
	[tilespmem:$0x17000] =	vst v63  }
0xcc: {  	_ =	swait.ge [sflag:s5], $0x8000  }
0xcd: {  	s6 =	rddreg [dreg:$0x6];
	[sflag:s5] =	ssyncset.done $0x0  }
0xce: {  	s7 =	rddreg [dreg:$0x14];
	[sflag:s5] =	ssyncadd.s32 $0xFFFF8000;
	s0 =	sadd.s32 s26, s6  }
0xcf: {  	[hbm4b:s0+s3] =	stream.linear.scatter [tilespmem:s7], [sflag:$0x1], $0x4000, $0x38;
	[tilespmem:$0x17000] =	vst v63  }
0xd0: {  	s8 =	rddreg [dreg:$0x15];
	s0 =	sadd.s32 $0x800, s0  }
0xd1: {  	[hbm4b:s0+s3] =	stream.linear.scatter [tilespmem:s8], [sflag:$0x1], $0x4000, $0x38;
	[tilespmem:$0x17000] =	vst v63  }
0xd2: {  	_ =	swait.ge [sflag:s14], $0x8000  }
0xd3: {  	s6 =	rddreg [dreg:$0x5];
	[sflag:s14] =	ssyncset.done $0x0  }
0xd4: {  	s7 =	rddreg [dreg:$0x16];
	[sflag:s14] =	ssyncadd.s32 $0xFFFF8000;
	s0 =	sadd.s32 s26, s6  }
0xd5: {  	[hbm4b:s0+s3] =	stream.linear.scatter [tilespmem:s7], [sflag:$0x2], $0x4000, $0x38;
	[tilespmem:$0x17000] =	vst v63  }
0xd6: {  	s8 =	rddreg [dreg:$0x17];
	s0 =	sadd.s32 $0x800, s0  }
0xd7: {  	[hbm4b:s0+s3] =	stream.linear.scatter [tilespmem:s8], [sflag:$0x2], $0x4000, $0x38;
	[tilespmem:$0x17000] =	vst v63  }
0xd8: {  	_ =	swait.ge [sflag:s15], $0x8000  }
0xd9: {  	s1 =	rddreg [dreg:$0x4];
	[sflag:s15] =	ssyncset.done $0x0  }
0xda: {  	s6 =	rddreg [dreg:$0x18];
	[sflag:s15] =	ssyncadd.s32 $0xFFFF8000;
	s0 =	sadd.s32 s26, s1  }
0xdb: {  	[hbm4b:s0+s3] =	stream.linear.scatter [tilespmem:s6], [sflag:$0x3], $0x4000, $0x38;
	[tilespmem:$0x17000] =	vst v63  }
0xdc: {  	s7 =	rddreg [dreg:$0x19];
	s0 =	sadd.s32 $0x800, s0  }
0xdd: {  	[hbm4b:s0+s3] =	stream.linear.scatter [tilespmem:s7], [sflag:$0x3], $0x4000, $0x38;
	[tilespmem:$0x17000] =	vst v63  }
0xde: {  	_ =	swait.ge [sflag:s16], $0x8000  }
0xdf: {  	s8 =	rddreg [dreg:$0x3];
	[sflag:s16] =	ssyncset.done $0x0  }
0xe0: {  	[sflag:s16] =	ssyncadd.s32 $0xFFFF8000;
	s0 =	sadd.s32 s26, s8  }
0xe1: {  	[hbm4b:s0+s3] =	stream.linear.scatter [tilespmem:s3], [sflag:$0x4], $0x4000, $0x38;
	[tilespmem:$0x17000] =	vst v63  }
0xe2: {  	s28 =	sadd.s32 s26, s4;
	s0 =	sadd.s32 $0x800, s0  }
0xe3: {  	[hbm4b:s0+s3] =	stream.linear.scatter [tilespmem:s10], [sflag:$0x4], $0x4000, $0x38;
	[tilespmem:$0x17000] =	vst v63  }
0xe4: {  	s7 =	sor.u32 $0x8000, s28;
	_ =	swait.ge [sflag:s17], $0xB800  }
0xe5: {  	s1 =	sadd.s32 s2, s7;
	s8 =	sor.u32 $0x10000, s28;
	s31 =	rddreg [dreg:$0xb]  }
0xe6: {  	s0 =	sadd.s32 s2, s8;
	s7 =	rddreg [dreg:$0x1a];
	[sflag:s17] =	ssyncset.done $0x0  }
0xe7: {  	s8 =	rddreg [dreg:$0x1b];
	[sflag:s17] =	ssyncadd.s32 $0xFFFF4800;
	s31 =	sadd.s32 s26, s31  }
0xe8: {  	[hbm4b:s31+s3] =	stream.linear.scatter [tilespmem:s7], [sflag:$0x5], $0x4000, $0x38;
	[tilespmem:$0x17000] =	vst v63  }
0xe9: {  	s7 =	sadd.s32 $0x800, s31;
	s31 =	rddreg [dreg:$0x1c]  }
0xea: {  	[hbm4b:s7+s3] =	stream.linear.scatter [tilespmem:s8], [sflag:$0x5], $0x4000, $0x38;
	[tilespmem:$0x17000] =	vst v63  }
0xeb: {  	s7 =	rddreg [dreg:$0x1d]  }
0xec: {  	[hbm4b:s1+s3] =	stream.linear.scatter [tilespmem:s31], [sflag:$0x6], $0x4000, $0x38;
	[tilespmem:$0x17000] =	vst v63  }
0xed: {  	s8 =	rddreg [dreg:$0x1e];
	s1 =	sadd.s32 $0x800, s1  }
0xee: {  	[hbm4b:s1+s3] =	stream.linear.scatter [tilespmem:s7], [sflag:$0x6], $0x4000, $0x38;
	[tilespmem:$0x17000] =	vst v63  }
0xef: {  	s7 =	rddreg [dreg:$0x1f]  }
0xf0: {  	[hbm4b:s0+s3] =	stream.linear.scatter [tilespmem:s8], [sflag:$0x7], $0x4000, $0x38;
	[tilespmem:$0x17000] =	vst v63  }
0xf1: {  	s6 =	sor.u32 $0x18000, s28;
	s0 =	sadd.s32 $0x800, s0;
	s8 =	sld [smem:$0x7F5]  }
0xf2: {  	[hbm4b:s0+s3] =	stream.linear.scatter [tilespmem:s7], [sflag:$0x7], $0x4000, $0x38;
	[tilespmem:$0x17000] =	vst v63  }
0xf3: {  	s1 =	sadd.s32 s2, s6;
	s6 =	sld [smem:$0x7F6]  }
0xf4: {  	[hbm4b:s1+s3] =	stream.linear.scatter [tilespmem:s8], [sflag:$0x8], $0x4000, $0x38;
	[tilespmem:$0x17000] =	vst v63  }
0xf5: {  	s0 =	sadd.s32 $0x800, s1  }
0xf6: {  	[hbm4b:s0+s3] =	stream.linear.scatter [tilespmem:s6], [sflag:$0x8], $0x4000, $0x38;
	[tilespmem:$0x17000] =	vst v63  }
0xf7: {  	_ =	swait.ge [sflag:s5], $0x8000  }
0xf8: {  	[sflag:s5] =	ssyncset.done $0x0  }
0xf9: {  	[sflag:s5] =	ssyncadd.s32 $0xFFFF8000  }
0xfa: {  	_ =	swait.ge [sflag:s14], $0x8000  }
0xfb: {  	[sflag:s14] =	ssyncset.done $0x0  }
0xfc: {  	[sflag:s14] =	ssyncadd.s32 $0xFFFF8000  }
0xfd: {  	_ =	swait.ge [sflag:s15], $0x8000  }
0xfe: {  	[sflag:s15] =	ssyncset.done $0x0  }
0xff: {  	[sflag:s15] =	ssyncadd.s32 $0xFFFF8000  }
0x100: {  	p1 =	seq.s32 s26, $0x6000;
	_ =	swait.ge [sflag:s16], $0x8000  }
0x101: {  	s24 =	sadd.s32 $0x42000, s24;
	s1 =	simm.s32 @!p1 $0x8400;
	[sflag:s16] =	ssyncset.done $0x0  }
0x102: {  	s0 =	simm.s32 @!p1 $0x5C00;
	s6 =	simm.s32 @!p1 $0x0;
	[sflag:s16] =	ssyncadd.s32 $0xFFFF8000  }
0x103: {  	[tilespmem:s6], [sflag:$0x9] =	stream.strided.gather @!p1 [hbm4b:s24+s0], $0xB800, s1, s0, $0x38;
	[tilespmem:$0x17000] =	vst v63  }
0x104: {  	_ =	swait.ge [sflag:s18], $0x8000  }
0x105: {  	s23 =	sadd.s32 $0x2000, s23;
	s8 =	sld [smem:$0x7F7]  }
0x106: {  	p0 =	sne.s32 s23, $0x8000;
	s7 =	sor.u32 $0x20000, s28;
	[sflag:s18] =	ssyncset.done $0x0  }
0x107: {  	s0 =	sadd.s32 s2, s7;
	s26 =	sld [smem:$0x7F8];
	[sflag:s18] =	ssyncadd.s32 $0xFFFF8000  }
0x108: {  	[hbm4b:s0+s3] =	stream.linear.scatter [tilespmem:s8], [sflag:$0x5], $0x4000, $0x38;
	[tilespmem:$0x17000] =	vst v63  }
.Ltmp0:
0x109: {  	_ = 	snop;
	(pc) =	sbr.rel @p0 .LBB2_2-.Ltmp0, $4  }
0x10a: {  	s0 =	sadd.s32 $0x800, s0  }
0x10b: {  	[hbm4b:s0+s3] =	stream.linear.scatter [tilespmem:s26], [sflag:$0x5], $0x4000, $0x38;
	[tilespmem:$0x17000] =	vst v63  }
0x10c: {  	s30 =	sor.u32 $0x28000, s28;
	_ =	swait.ge [sflag:s19], $0x8000  }
0x10d: {  	s29 =	sor.u32 $0x38000, s28;
	[sflag:s19] =	ssyncset.done $0x0;
	s31 =	sld [smem:$0x7F9]  }
0x10e: {  	_ = 	snop  }
0x10f: {  	[sflag:s19] =	ssyncadd.s32 $0xFFFF8000;
	s0 =	sadd.s32 s2, s30;
	s1 =	sld [smem:$0x7FA]  }
0x110: {  	[hbm4b:s0+s3] =	stream.linear.scatter [tilespmem:s31], [sflag:$0x6], $0x4000, $0x38;
	[tilespmem:$0x17000] =	vst v63  }
0x111: {  	s0 =	sadd.s32 $0x800, s0  }
0x112: {  	[hbm4b:s0+s3] =	stream.linear.scatter [tilespmem:s1], [sflag:$0x6], $0x4000, $0x38;
	[tilespmem:$0x17000] =	vst v63  }
0x113: {  	_ =	swait.ge [sflag:s20], $0x8000  }
0x114: {  	s25 =	sld [smem:$0x7FB]  }
0x115: {  	s26 =	sor.u32 $0x30000, s28;
	[sflag:s20] =	ssyncset.done $0x0  }
0x116: {  	s1 =	sadd.s32 s2, s26;
	s6 =	sld [smem:$0x7FC];
	[sflag:s20] =	ssyncadd.s32 $0xFFFF8000  }
0x117: {  	[hbm4b:s1+s3] =	stream.linear.scatter [tilespmem:s25], [sflag:$0x7], $0x4000, $0x38;
	[tilespmem:$0x17000] =	vst v63  }
0x118: {  	s28 =	sadd.s32 $0x800, s1  }
0x119: {  	[hbm4b:s28+s3] =	stream.linear.scatter [tilespmem:s6], [sflag:$0x7], $0x4000, $0x38;
	[tilespmem:$0x17000] =	vst v63  }
0x11a: {  	_ =	swait.ge [sflag:s21], $0x8000  }
0x11b: {  	[sflag:s21] =	ssyncset.done $0x0  }
0x11c: {  	s29 =	sadd.s32 s2, s29;
	s30 =	sld [smem:$0x7FD];
	[sflag:s21] =	ssyncadd.s32 $0xFFFF8000  }
0x11d: {  	[hbm4b:s29+s3] =	stream.linear.scatter [tilespmem:s13], [sflag:$0x8], $0x4000, $0x38;
	[tilespmem:$0x17000] =	vst v63  }
0x11e: {  	s0 =	sadd.s32 $0x800, s29  }
0x11f: {  	[hbm4b:s0+s3] =	stream.linear.scatter [tilespmem:s30], [sflag:$0x8], $0x4000, $0x38;
	[tilespmem:$0x17000] =	vst v63  }
0x120: {  	_ =	swait.ge [sflag:s18], $0x8000  }
0x121: {  	[sflag:s18] =	ssyncset.done $0x0  }
0x122: {  	[sflag:s18] =	ssyncadd.s32 $0xFFFF8000  }
0x123: {  	_ =	swait.ge [sflag:s19], $0x8000  }
0x124: {  	[sflag:s19] =	ssyncset.done $0x0  }
0x125: {  	[sflag:s19] =	ssyncadd.s32 $0xFFFF8000  }
0x126: {  	_ =	swait.ge [sflag:s20], $0x8000  }
0x127: {  	[sflag:s20] =	ssyncset.done $0x0  }
0x128: {  	[sflag:s20] =	ssyncadd.s32 $0xFFFF8000  }
0x129: {  	_ =	swait.ge [sflag:s21], $0x8000  }
0x12a: {  	s31 =	sld [smem:$0x7F3];
	_ =	sdelay $0x1  }
0x12b: {  	s22 =	sadd.s32 $0x1, s22  }
0x12c: {  	p0 =	sne.s32 s22, s31  }
.Ltmp1:
0x12d: {  	_ = 	snop;
	(pc) =	sbr.rel @p0 .LBB2_1-.Ltmp1, $3  }
0x12e: {  	_ =	sdelay $0x1  }
0x12f: {  	[sflag:s21] =	ssyncset.done $0x0  }
0x130: {  	[sflag:s21] =	ssyncadd.s32 $0xFFFF8000  }
0x131: {  	_ =	sfence.sel $0x180000  }
0x132: {  	[bflag:$0x0] =	sbarrier.arrive $0xFFFF  }
0x133: {  	_ =	strace $0x9000004A  }
0x134: {  	s0 =	stileid.u32;
	[bflag:$0x2] =	sbarrier.arrive $0xFFFF  }
0x135: {  	p0 =	sne.s32 s0, $0x0;
	s0 =	rddreg [dreg:$0x2]  }
0x136: {  	s0 =	sadd.s32 @!p0 $0x100000, s0  }
0x137: {  	[sflag:s0] =	ssyncadd.tile.s32 @!p0 $0x1;
	_ =	shalt  }
.Lfunc_end2:
_tile_overlayer_lowered:
.L_overlay_start_2:
0x138: {  	(tag) =	ssettag $0x2  }
0x139: {  	s0 =	rddreg [dreg:$0x0];
	s2 =	stileid.u32  }
0x13a: {  	s1 =	rddreg [dreg:$0x1];
	p0 =	sne.s32 s2, $0x0  }
0x13b: {  	s3 =	rddreg [dreg:$0x2];
	[bflag:$0x3] =	sbarrier.arrive $0xFFFF;
	s2 =	simm.s32 @!p0 $0x1C0B  }
0x13c: {  	[timem:s3], [sflag:s2] =	dma.local @!p0 [hbm:s0], s1  }
0x13d: {  	s0 =	simm.s32 @!p0 $0xB  }
0x13e: {  	_ =	swait.ge @!p0 [sflag:s0], s1  }
0x13f: {  	s1 =	ssub.s32 @!p0 $0x0, s1;
	[sflag:s0] =	ssyncset.done @!p0 $0x0  }
0x140: {  	[sflag:s0] =	ssyncadd.s32 @!p0 s1  }
0x141: {  	[bflag:$0x3] =	sbarrier.arrive $0xFFFF  }
0x142: {  	_ =	shalt  }

// kernel: sparse-core-data-format-call.cloned.1.call-start
scs
called_computation_lowered:
.L_overlay_start_0:
0x0: {  	s2 =	sld [smem:$0x3FD9]  }
0x1: {  	s3 =	sld [smem:$0x3FFE];
	_ =	sdelay $0x1  }
0x2: {  	s1 =	srdreg.scid  }
0x3: {  	s0 =	sand.u32 $0x1, s1  }
0x4: {  	s18 =	sshll.u32 s0, $0xA;
	s2 =	sadd.s32 s3, s2  }
0x5: {  	s2 =	sadd.s32 s2, s18  }
0x6: {  	[smem:$0x3FC7] =	sst s2  }
0x7: {  	_ = 	snop  }
0x8: {  	s2 =	sld [smem:$0x3FD0];
	(tm) =	ssettm $0x1  }
0x9: {  	s19 =	sld [smem:$0x3FFB];
	_ =	sdelay $0x3  }
0xa: {  	_ =	strace s19  }
0xb: {  	s3 =	sld [smem:$0x3FFC];
	_ =	sdelay $0x3  }
0xc: {  	_ =	strace s3  }
0xd: {  	s3 =	sld [smem:$0x3FFD];
	_ =	sdelay $0x3  }
0xe: {  	_ =	strace s3  }
0xf: {  	_ =	strace $0x8FFFFFFF  }
0x10: {  	s20 =	sld [smem:$0x3FDB];
	_ =	sdelay $0x1  }
0x11: {  	s4 =	simm.s32 $_scs_section_size  }
0x12: {  	s5 =	simm.s32 $_size__tile_overlayer_lowered;
	s6 =	simm.s32 $_tile_overlayer_lowered  }
0x13: {  	s23 =	simm.s32 $0x1BFF;
	s22 =	sshll.u32 s6, $0x1;
	s3 =	sadd.s32 s4, s20  }
0x14: {  	s7 =	simm.s32 $0x0;
	s21 =	sshll.u32 s5, $0x1;
	s5 =	sadd.s32 s22, s3  }
0x15: {  	[timem:s7], [sflag:s23] =	dma.local [hbm:s5], s21  }
0x16: {  	_ =	swait.ge [sflag:s23], s21  }
0x17: {  	s4 =	ssub.s32 $0x0, s21;
	[sflag:s23] =	ssyncset.done $0x0  }
0x18: {  	[sflag:s23] =	ssyncadd.s32 s4;
	_ =	sdelay $0x1  }
0x19: {  	s24 =	simm.s32 $0x1B8B  }
0x1a: {  	_ =	swait.ge [sflag:s24], $0x1  }
0x1b: {  	[sflag:s24] =	ssyncset.done $0x0  }
0x1c: {  	s26 =	simm.s32 $0x1B8E;
	s25 =	sld [smem:$0x3FFE];
	[sflag:s24] =	ssyncadd.s32 $0xFFFFFFFF  }
0x1d: {  	s27 =	simm.s32 $execute0_lowered;
	[smem:$0x3FD2] =	sst s26  }
0x1e: {  	s5 =	sshll.u32 s27, $0x1;
	_ =	strace $0x80000046;
	[dreg:$0x1] =	wrdreg $0xFFFFFFFF  }
0x1f: {  	s28 =	simm.s32 $_size_execute0_lowered;
	s3 =	sadd.s32 s3, s5;
	[dreg:$0x0] =	wrdreg $0x0  }
0x20: {  	s5 =	sshll.u32 s28, $0x1;
	[dreg:$0x2] =	wrdreg s3  }
0x21: {  	[dreg:$0x3] =	wrdreg s5  }
0x22: {  	[dreg:$0x4] =	wrdreg $0xC0  }
0x23: {  	_ =	task [dreg:s7], $0x5FFFF  }
0x24: {  	[dreg:$0x1] =	wrdreg $0xFFFFFFFF  }
0x25: {  	[dreg:$0x0] =	wrdreg $0x60  }
0x26: {  	[dreg:$0x2] =	wrdreg s2  }
0x27: {  	[dreg:$0x3] =	wrdreg s25  }
0x28: {  	[dreg:$0x4] =	wrdreg $0x9  }
0x29: {  	_ =	task.clear_ibuf [dreg:s7], $0x5FFFF;
	_ =	strace $0x90000046  }
0x2a: {  	s29 =	simm.s32 $0x9;
	_ =	strace $0x80000048  }
0x2b: {  	_ =	swait.ge [sflag:s29], $0x1  }
0x2c: {  	[sflag:s29] =	ssyncadd.s32 $0xFFFFFFFF  }
0x2d: {  	_ =	strace $0x90000048  }
0x2e: {  	_ =	sfence  }
0x2f: {  	s30 =	sld [smem:$0x0];
	_ =	sdelay $0x2  }
0x30: {  	s31 =	sshll.u32 s1, $0xD;
	s1 =	sshrl.u32 s1, $0x2  }
0x31: {  	s3 =	sand.u32 $0x4000, s31;
	s1 =	sadd.s32 s1, s30  }
0x32: {  	s0 =	sor.u32 s3, s0;
	s1 =	sshll.u32 s1, $0x11  }
0x33: {  	s0 =	sor.u32 s1, s0  }
0x34: {  	s0 =	sadd.s32 $0x8F2B, s0  }
0x35: {  	[sflag:s0] =	ssyncadd.remote.s32 $0x1  }
0x36: {  	_ =	sfence.sel $0xFFFF  }
0x37: {  	[dreg:$0x0] =	wrdreg $0xFFFFFFFF;
	(pc) =	sbr.abs _section_cstart, $3  }
0x38: {  	[dreg:$0x1] =	wrdreg $0xFFFFFFFF  }
0x39: {  	_ =	task.clear_ibuf [dreg:s7], $0x2FFFF;
	_ =	strace $0x9FFFFFFF  }
0x3a: {  	(tm) =	ssettm $0x7FFFFFFF  }
0x3b: {  	_ =	shalt  }
tec
execute0_lowered:
.L_overlay_start_1:
0x0: {  	(tag) =	ssettag $0x1  }
0x1: {  	s2 =	rddreg [dreg:$0x0]  }
0x2: {  	s7 =	rddreg [dreg:$0x1]  }
0x3: {  	s1 =	stileid.u32;
	s0 =	rddreg [dreg:$0x2]  }
0x4: {  	s4 =	srdreg.scid;
	_ =	strace $0x80000047;
	s9 =	simm.s32 $0x11  }
0x5: {  	s10 =	simm.s32 $0x2;
	s18 =	simm.s32 $0x0;
	s11 =	simm.s32 $0x0  }
0x6: {  	s17 =	simm.s32 $0x0;
	s20 =	simm.s32 $0x0;
	s19 =	simm.s32 $0x0  }
0x7: {  	s13 =	simm.s32 $0x0;
	s16 =	simm.s32 $0x0;
	s3 =	sand.u32 $0x8, s1  }
0x8: {  	s4 =	sshll.u32 s4, $0x7;
	s7 =	sadd.s32 $0x1C00, s7;
	s5 =	ssub.s32 $0x10, s3  }
0x9: {  	s4 =	sand.u32 $0x80, s4;
	s6 =	sshrl.u32 s5, $0x4;
	s5 =	sshrl.u32 s5, $0x3  }
.Ltmp0:
0xa: {  	p0 =	seq.s32 s4, $0x0;
	s8 =	sand.u32 $0x1, s5;
	(pc) =	sbr.rel .LBB1_1-.Ltmp0, $4  }
0xb: {  	s5 =	simm.s32 $0x1;
	s9 =	simm.s32 @!p0 $0x10;
	s6 =	sadd.s32 s6, s8  }
0xc: {  	s14 =	smov.u32 s3;
	[sflag:s5] =	ssyncpa.u1 $0x0;
	s6 =	smul.u32 s9, s6  }
0xd: {  	s12 =	smov.u32 s4;
	s8 =	sand.u32 $0x7, s1;
	[sflag:s10] =	ssyncpa.u1 $0x0  }
0xe: {  	s10 =	simm.s32 $0x10800;
	s15 =	smov.u32 s8;
	s9 =	sadd.s32 $0x1, s6  }
.LBB1_7:
0xf: {  	s21 =	sadd.s32 $0x100, s12  }
0x10: {  	s17 =	sadd.s32 $0x10, s13;
	s22 =	smov.u32 s13;
	p1 =	sgt.s32 s21, $0x107F  }
0x11: {  	s22 =	smov.u32 @p1 s17  }
0x12: {  	s23 =	smov.u32 s14;
	s17 =	sadd.s32 $0x10, s14;
	p2 =	sgt.s32 s22, $0xF  }
0x13: {  	s23 =	smov.u32 @p2 s17  }
0x14: {  	s24 =	smov.u32 s15;
	s17 =	sadd.s32 $0x8, s15;
	p3 =	sgt.s32 s23, $0xF  }
0x15: {  	p0 =	slt.u32 s16, $0x2;
	s24 =	smov.u32 @p3 s17  }
0x16: {  	s18 =	smov.u32 s12;
	s21 =	smov.u32 @p1 s4;
	p1 =	sgt.s32 s24, $0x7  }
0x17: {  	s25 =	simm.s32 @!p0 $0x2;
	s24 =	smov.u32 @p1 s8;
	p1 =	sne.s32 s16, s9  }
.Ltmp1:
0x18: {  	s20 =	smov.u32 s14;
	_ =	swait.ge @!p0 [sflag:s25], $0x4000;
	(pc) =	sbr.rel @!p1 .LBB1_8-.Ltmp1, $4  }
0x19: {  	s19 =	smov.u32 s15;
	s11 =	sadd.s32 $0x4000, s11;
	[sflag:s25] =	ssyncset.done @!p0 $0x0  }
0x1a: {  	s12 =	smov.u32 s21;
	s22 =	simm.s32 @p2 $0x0;
	[sflag:s25] =	ssyncadd.s32 @!p0 $0xFFFFC000  }
0x1b: {  	s23 =	smov.u32 @p3 s3;
	s17 =	smov.u32 s13;
	s13 =	smov.u32 s22  }
0x1c: {  	s14 =	smov.u32 s23;
	s16 =	sadd.s32 $0x1, s16;
	s15 =	smov.u32 s24  }
.LBB1_1:
0x1d: {  	p0 =	sge.u32 s16, s6  }
0x1e: {  	s21 =	sshrl.u32 @!p0 s13, $0x3  }
0x1f: {  	s22 =	sshll.u32 @!p0 s12, $0x3;
	s21 =	smul.u32 @!p0 $0x8400, s21  }
0x20: {  	s23 =	sshll.u32 @!p0 s13, $0x7;
	s22 =	sand.u32 @!p0 $0xFFFFFC00, s22  }
0x21: {  	s21 =	sadd.s32 @!p0 s21, s22;
	s22 =	sand.u32 @!p0 $0x380, s23  }
0x22: {  	s23 =	sand.u32 @!p0 $0x7F, s12;
	s21 =	sor.u32 @!p0 s22, s21  }
0x23: {  	s22 =	sor.u32 @!p0 s23, s21  }
0x24: {  	s23 =	smulhi.u32 @!p0 $0x3E0F83E1, s22  }
0x25: {  	s21 =	smulhi.u32 @!p0 $0x3E0F83E1, s21  }
0x26: {  	s31 =	sadd.s32 $0xFFFFFFFF, s16;
	s25 =	smul.u32 @!p0 $0x21000, s15;
	s23 =	sshrl.u32 @!p0 s23, $0xA  }
0x27: {  	s24 =	sxor.u32 @!p0 $0xFFFFFFFF, s16;
	s21 =	sshrl.u32 @!p0 s21, $0xA;
	s23 =	smul.u32 @!p0 $0x1080, s23  }
0x28: {  	s26 =	smul.u32 @!p0 $0x2100, s14;
	s24 =	sshll.u32 @!p0 s24, $0xE;
	s21 =	sand.u32 @!p0 $0xF, s21  }
0x29: {  	s21 =	smul.u32 @!p0 $0x210, s21;
	s22 =	ssub.s32 @!p0 s22, s23;
	s23 =	sadd.s32 @!p0 s2, s25  }
0x2a: {  	s24 =	sand.u32 @!p0 $0x4000, s24;
	s23 =	sadd.s32 @!p0 s26, s23;
	s25 =	sand.u32 @!p0 $0x7, s22  }
0x2b: {  	s22 =	sshrl.u32 @!p0 s22, $0x3;
	s21 =	sadd.s32 @!p0 s21, s23;
	s23 =	sshll.u32 @!p0 s25, $0x12  }
0x2c: {  	s21 =	sadd.s32 @!p0 s22, s21;
	s22 =	sor.u32 @!p0 $0x400, s23;
	s23 =	simm.s32 @!p0 $0x8400  }
0x2d: {  	[tilespmem:s24], [sflag:$0x1] =	stream.strided.gather @!p0 [hbm4b:s21+s22], $0x4000, s23, s22, $0x38;
	[tilespmem:$0x10000] =	vst v63  }
0x2e: {  	p0 =	sge.u32 s31, s6  }
.Ltmp2:
0x2f: {  	_ = 	snop;
	(pc) =	sbr.rel @p0 .LBB1_7-.Ltmp2, $1  }
0x30: {  	_ =	sdelay $0x3  }
0x31: {  	s21 =	sand.u32 $0x4000, s11  }
0x32: {  	_ =	swait.ge [sflag:s5], $0x4000;
	s24 =	sshll.u32 s16, $0xE;
	s22 =	sor.u32 $0x8040, s21  }
0x33: {  	s23 =	sor.u32 $0x40, s21;
	[sflag:s5] =	ssyncset.done $0x0;
	s31 =	sand.u32 $0x4000, s24  }
0x34: {  	s24 =	simm.s32 $0x0;
	[sflag:s5] =	ssyncadd.s32 $0xFFFFC000;
	s21 =	sor.u32 $0x8000, s31  }
.LBB1_3:
0x35: {  	v0 =	vmov s23;
	_ =	sdelay $0x3  }
0x36: {  	s26 =	simm.s32 $0x0  }
0x37: {  	v6 =	vld.idx.msk [tilespmem:v0+s26+$0x30 ss:$0x1], $0xffff  }
0x38: {  	v7 =	vld.idx.msk [tilespmem:v0+s26+$0xFFFFFFC0 ss:$0x1], $0xffff  }
0x39: {  	v5 =	vld.idx.msk [tilespmem:v0+s26+$0xFFFFFFD0 ss:$0x1], $0xffff  }
0x3a: {  	v4 =	vld.idx.msk [tilespmem:v0+s26+$0xFFFFFFE0 ss:$0x1], $0xffff  }
0x3b: {  	v3 =	vld.idx.msk [tilespmem:v0+s26+$0xFFFFFFF0 ss:$0x1], $0xffff  }
0x3c: {  	v1 =	vld.idx.msk [tilespmem:v0+s26+$0x0 ss:$0x1], $0xffff  }
0x3d: {  	v2 =	vld.idx.msk [tilespmem:v0+s26+$0x10 ss:$0x1], $0xffff;
	[tilespmem:s22+$0x30] =	vst v6  }
0x3e: {  	s25 =	simm.s32 $0x80;
	s27 =	simm.s32 $0x400;
	[tilespmem:s22+$0xFFFFFFC0] =	vst v7;
	v6 =	vld.idx.msk [tilespmem:v0+s26+$0x20 ss:$0x1], $0xffff;
	s26 =	smov.u32 s22  }
.LBB1_4:
0x3f: {  	p0 =	sne.s32 s27, $0x1E00;
	v7 =	vld.idx.msk [tilespmem:v0+s25+$0x30 ss:$0x1], $0xffff;
	[tilespmem:s26+$0xFFFFFFD0] =	vst v5  }
0x40: {  	v8 =	vld.idx.msk [tilespmem:v0+s25+$0xFFFFFFC0 ss:$0x1], $0xffff;
	[tilespmem:s26+$0xFFFFFFE0] =	vst v4  }
0x41: {  	v5 =	vld.idx.msk [tilespmem:v0+s25+$0xFFFFFFD0 ss:$0x1], $0xffff;
	[tilespmem:s26+$0xFFFFFFF0] =	vst v3  }
.Ltmp3:
0x42: {  	v4 =	vld.idx.msk [tilespmem:v0+s25+$0xFFFFFFE0 ss:$0x1], $0xffff;
	[tilespmem:s26+$0x0] =	vst v1;
	(pc) =	sbr.rel @p0 .LBB1_4-.Ltmp3, $4  }
0x43: {  	v3 =	vld.idx.msk [tilespmem:v0+s25+$0xFFFFFFF0 ss:$0x1], $0xffff;
	[tilespmem:s26+$0x10] =	vst v2  }
0x44: {  	v1 =	vld.idx.msk [tilespmem:v0+s25+$0x0 ss:$0x1], $0xffff;
	[tilespmem:s26+$0x20] =	vst v6;
	s26 =	sadd.s32 $0x400, s26  }
0x45: {  	v2 =	vld.idx.msk [tilespmem:v0+s25+$0x10 ss:$0x1], $0xffff;
	[tilespmem:s26+$0x30] =	vst v7  }
0x46: {  	[tilespmem:s26+$0xFFFFFFC0] =	vst v8;
	v6 =	vld.idx.msk [tilespmem:v0+s25+$0x20 ss:$0x1], $0xffff;
	s25 =	sshra.s32 s27, $0x2;
	s27 =	sadd.s32 $0x200, s27  }
0x47: {  	_ =	sdelay $0x2  }
0x48: {  	[tilespmem:s26+$0xFFFFFFD0] =	vst v5  }
0x49: {  	v56 =	vld.idx.msk [tilespmem:v0+s25+$0x30 ss:$0x1], $0xffff;
	[tilespmem:s26+$0xFFFFFFE0] =	vst v4  }
0x4a: {  	v57 =	vld.idx.msk [tilespmem:v0+s25+$0xFFFFFFC0 ss:$0x1], $0xffff;
	[tilespmem:s26+$0xFFFFFFF0] =	vst v3  }
0x4b: {  	v58 =	vld.idx.msk [tilespmem:v0+s25+$0xFFFFFFD0 ss:$0x1], $0xffff;
	[tilespmem:s26+$0x0] =	vst v1  }
0x4c: {  	v59 =	vld.idx.msk [tilespmem:v0+s25+$0xFFFFFFE0 ss:$0x1], $0xffff;
	[tilespmem:s26+$0x10] =	vst v2  }
0x4d: {  	v60 =	vld.idx.msk [tilespmem:v0+s25+$0xFFFFFFF0 ss:$0x1], $0xffff;
	s31 =	sadd.s32 $0x400, s26;
	[tilespmem:s26+$0x20] =	vst v6  }
0x4e: {  	v61 =	vld.idx.msk [tilespmem:v0+s25+$0x0 ss:$0x1], $0xffff;
	[tilespmem:s31+$0x30] =	vst v56  }
0x4f: {  	v62 =	vld.idx.msk [tilespmem:v0+s25+$0x10 ss:$0x1], $0xffff;
	s24 =	sadd.s32 $0x1, s24;
	[tilespmem:s31+$0xFFFFFFC0] =	vst v57  }
0x50: {  	v63 =	vld.idx.msk [tilespmem:v0+s25+$0x20 ss:$0x1], $0xffff;
	p0 =	sne.s32 s24, $0x8;
	[tilespmem:s31+$0xFFFFFFD0] =	vst v58  }
.Ltmp4:
0x51: {  	[tilespmem:s31+$0xFFFFFFE0] =	vst v59;
	(pc) =	sbr.rel @p0 .LBB1_3-.Ltmp4, $4  }
0x52: {  	[tilespmem:s31+$0xFFFFFFF0] =	vst v60  }
0x53: {  	[tilespmem:s31+$0x0] =	vst v61  }
0x54: {  	[tilespmem:s31+$0x10] =	vst v62  }
0x55: {  	s22 =	sadd.s32 $0x80, s22;
	s23 =	sadd.s32 $0x800, s23;
	[tilespmem:s31+$0x20] =	vst v63  }
0x56: {  	s22 =	sshrl.u32 s20, $0x3  }
0x57: {  	s23 =	sshll.u32 s18, $0x3;
	s22 =	smul.u32 $0x8400, s22  }
0x58: {  	s27 =	sshll.u32 s20, $0x7;
	s23 =	sand.u32 $0xFFFFFC00, s23  }
0x59: {  	s20 =	sand.u32 $0x380, s27;
	s22 =	sadd.s32 s22, s23  }
0x5a: {  	s28 =	sand.u32 $0x7F, s18;
	s20 =	sor.u32 s20, s22  }
0x5b: {  	s18 =	sor.u32 s28, s20;
	s20 =	smulhi.u32 $0x3E0F83E1, s20  }
0x5c: {  	s29 =	smulhi.u32 $0x3E0F83E1, s18  }
0x5d: {  	s19 =	smul.u32 $0x21000, s19  }
0x5e: {  	s17 =	smul.u32 $0x2100, s17;
	s20 =	sshrl.u32 s20, $0xA;
	s22 =	sshrl.u32 s29, $0xA  }
0x5f: {  	s20 =	sand.u32 $0xF, s20;
	s22 =	smul.u32 $0x1080, s22  }
0x60: {  	s20 =	smul.u32 $0x210, s20  }
.Ltmp5:
0x61: {  	s19 =	sadd.s32 s7, s19;
	s18 =	ssub.s32 s18, s22;
	(pc) =	sbr.rel .LBB1_7-.Ltmp5, $4  }
0x62: {  	s17 =	sadd.s32 s17, s19;
	s30 =	sand.u32 $0x7, s18  }
0x63: {  	s17 =	sadd.s32 s20, s17;
	s18 =	sshrl.u32 s18, $0x3;
	s19 =	sshll.u32 s30, $0x12  }
0x64: {  	s17 =	sadd.s32 s18, s17;
	s31 =	sor.u32 $0x400, s19  }
0x65: {  	[hbm4b:s17+s31] =	stream.strided.scatter [tilespmem:s21], [sflag:$0x2], $0x4000, s10, s31, $0x38;
	[tilespmem:$0x10000] =	vst v63  }
.LBB1_8:
0x66: {  	_ =	sfence.sel $0x180000  }
0x67: {  	s2 =	simm.s32 $0x1;
	[bflag:$0x0] =	sbarrier.arrive $0xFFFF  }
0x68: {  	s31 =	simm.s32 $0x2;
	[sflag:s2] =	ssyncpa.u1 $0x1  }
0x69: {  	[sflag:s31] =	ssyncpa.u1 $0x1  }
0x6a: {  	p0 =	sne.s32 s1, $0x0;
	_ =	strace $0x90000047  }
0x6b: {  	s0 =	sadd.s32 @!p0 $0x100000, s0;
	[bflag:$0x2] =	sbarrier.arrive $0xFFFF  }
0x6c: {  	[sflag:s0] =	ssyncadd.tile.s32 @!p0 $0x1;
	_ =	shalt  }
.Lfunc_end1:
_tile_overlayer_lowered:
.L_overlay_start_2:
0x6d: {  	(tag) =	ssettag $0x2  }
0x6e: {  	s0 =	rddreg [dreg:$0x0];
	s2 =	stileid.u32  }
0x6f: {  	s1 =	rddreg [dreg:$0x1];
	p0 =	sne.s32 s2, $0x0  }
0x70: {  	s3 =	rddreg [dreg:$0x2];
	[bflag:$0x3] =	sbarrier.arrive $0xFFFF;
	s2 =	simm.s32 @!p0 $0x1C01  }
0x71: {  	[timem:s3], [sflag:s2] =	dma.local @!p0 [hbm:s0], s1  }
0x72: {  	s0 =	simm.s32 @!p0 $0x1  }
0x73: {  	_ =	swait.ge @!p0 [sflag:s0], s1  }
0x74: {  	s1 =	ssub.s32 @!p0 $0x0, s1;
	[sflag:s0] =	ssyncset.done @!p0 $0x0  }
0x75: {  	[sflag:s0] =	ssyncadd.s32 @!p0 s1  }
0x76: {  	[bflag:$0x3] =	sbarrier.arrive $0xFFFF  }
0x77: {  	_ =	shalt  }

</sc_bundles>
